<compile_context>
chip_gen: v7x
topology: tpu7x:2x2x1
jax: 0.10.2.dev20260603
libtpu: 0.0.44.dev20260713+nightly
codegen_flags: <defaults>
</compile_context>

<pallas_src>
import functools

import jax
import jax.numpy as jnp
from jax import lax
from jax.experimental import pallas as pl
from jax.experimental.pallas import tpu as pltpu
from jax.experimental.pallas import tpu_sc as plsc

C = 19
KBINS = 1024
TABW = 1152
TABSZ = C * TABW
EPOS_COL = KBINS
NW = 32
TH = 48
CHA = 21888
CHB = 9216
UNR = 12
STEP = (16 * TABW) % TABSZ


def _softmax_body(x_ref, t_ref, dp_ref, dt_ref, p_ref, enc_ref, acc_ref):
    b = pl.program_id(0)
    j = pl.program_id(1)
    x = x_ref[0]
    e = jnp.exp(x)
    s = jnp.sum(e, axis=0, keepdims=True)
    p = e * (1.0 / s)
    p_ref[0] = p.reshape(C, TH * 3, 128)
    lab = t_ref[0]
    cls = lax.broadcasted_iota(jnp.int32, (C, TH, 384), 0)
    oh = cls == lab[None]
    ppos = jnp.sum(jnp.where(oh, p, 0.0), axis=0)
    enc = 2.0 * lab.astype(jnp.float32) + ppos
    enc_ref[...] = enc.reshape(TH * 3, 128)
    part = jnp.sum(jnp.abs(dp_ref[0, 0] - dt_ref[0]))

    @pl.when(jnp.logical_and(b == 0, j == 0))
    def _():
        acc_ref[...] = jnp.zeros_like(acc_ref)

    acc_ref[...] += jnp.full(acc_ref.shape, part, dtype=jnp.float32)


def _run_softmax(logits, target, depth_pred, depth_true):
    B, _, H, W = logits.shape
    nh = H // TH
    rows = H * W // 128
    probas, enc, acc = pl.pallas_call(
        _softmax_body,
        grid=(B, nh),
        in_specs=[
            pl.BlockSpec((1, C, TH, W), lambda b, j: (b, 0, j, 0)),
            pl.BlockSpec((1, TH, W), lambda b, j: (b, j, 0)),
            pl.BlockSpec((1, 1, TH, W), lambda b, j: (b, 0, j, 0)),
            pl.BlockSpec((1, TH, W), lambda b, j: (b, j, 0)),
        ],
        out_specs=[
            pl.BlockSpec((1, C, TH * 3, 128), lambda b, j: (b, 0, j, 0)),
            pl.BlockSpec((TH * 3, 128), lambda b, j: (b * nh + j, 0)),
            pl.BlockSpec((8, 128), lambda b, j: (0, 0)),
        ],
        out_shape=[
            jax.ShapeDtypeStruct((B, C, rows, 128), jnp.float32),
            jax.ShapeDtypeStruct((B * rows, 128), jnp.float32),
            jax.ShapeDtypeStruct((8, 128), jnp.float32),
        ],
    )(logits, target, depth_pred, depth_true)
    return probas, enc, acc


def _sc_body(pf_hbm, enc_hbm, zeros_hbm, out_hbm,
             sum_v, cnt_v, buf0, buf1, pv_v, sem0, sem1):
    wid = lax.axis_index("s") * 2 + lax.axis_index("c")
    per_w = pf_hbm.shape[0] // NW
    pos_w = enc_hbm.shape[0] // NW
    ncha = per_w // CHA
    lanes = jnp.arange(16, dtype=jnp.int32)

    pltpu.sync_copy(zeros_hbm, sum_v)
    pltpu.sync_copy(zeros_hbm, cnt_v)

    def start_a(ci, buf, sem):
        s = pl.multiple_of(wid * per_w + ci * CHA, 8)
        pltpu.make_async_copy(pf_hbm.at[pl.ds(s, CHA)], buf, sem).start()

    def wait_a(buf, sem):
        pltpu.make_async_copy(pf_hbm.at[pl.ds(0, CHA)], buf, sem).wait()

    def compute_a(buf):
        @plsc.parallel_loop(0, CHA // 16, unroll=8,
                            carry=lanes * TABW)
        def _(i, b):
            v = buf[pl.ds(i * 16, 16)]
            k = (v * float(KBINS)).astype(jnp.int32)
            plsc.addupdate_scatter(sum_v, [b + k], v)
            b = b + STEP
            return jnp.where(b >= TABSZ, b - TABSZ, b)

    start_a(0, buf0, sem0)
    start_a(1, buf1, sem1)

    def chunk_pair(i, carry):
        wait_a(buf0, sem0)
        compute_a(buf0)

        @pl.when(2 * i + 2 < ncha)
        def _():
            start_a(2 * i + 2, buf0, sem0)

        wait_a(buf1, sem1)
        compute_a(buf1)

        @pl.when(2 * i + 3 < ncha)
        def _():
            start_a(2 * i + 3, buf1, sem1)

        return carry

    lax.fori_loop(0, ncha // 2, chunk_pair, jnp.int32(0))

    ones = jnp.ones((16,), jnp.float32)
    ecol = jnp.full((16,), EPOS_COL, jnp.int32)

    def chunk_b(ci, carry):
        s = pl.multiple_of(wid * pos_w + ci * CHB, 8)
        pltpu.sync_copy(enc_hbm.at[pl.ds(s, CHB)], pv_v)

        @plsc.parallel_loop(0, CHB // 16, unroll=4)
        def _(i):
            v = pv_v[pl.ds(i * 16, 16)]
            labi = (v * 0.5).astype(jnp.int32)
            p = v - 2.0 * labi.astype(jnp.float32)
            q = 1.0 - p
            k1 = jnp.minimum((p * float(KBINS)).astype(jnp.int32),
                             KBINS - 1)
            k2 = jnp.minimum((q * float(KBINS)).astype(jnp.int32),
                             KBINS - 1)
            base = labi * TABW
            plsc.addupdate_scatter(sum_v, [base + k1], -p)
            plsc.addupdate_scatter(sum_v, [base + k2], q)
            plsc.addupdate_scatter(cnt_v, [base + k2], ones)
            plsc.addupdate_scatter(cnt_v, [base + ecol], q)

        return carry

    lax.fori_loop(0, pos_w // CHB, chunk_b, jnp.int32(0))

    pltpu.sync_copy(sum_v, out_hbm.at[0, wid])
    pltpu.sync_copy(cnt_v, out_hbm.at[1, wid])


def _run_sc(pf, enc, zeros):
    mesh = plsc.VectorSubcoreMesh(core_axis_name="c", subcore_axis_name="s")
    k = functools.partial(
        pl.kernel,
        mesh=mesh,
        compiler_params=pltpu.CompilerParams(needs_layout_passes=False),
        out_type=jax.ShapeDtypeStruct((2, NW, TABSZ), jnp.float32),
        scratch_types=[
            pltpu.VMEM((TABSZ,), jnp.float32),
            pltpu.VMEM((TABSZ,), jnp.float32),
            pltpu.VMEM((CHA,), jnp.float32),
            pltpu.VMEM((CHA,), jnp.float32),
            pltpu.VMEM((CHB,), jnp.float32),
            pltpu.SemaphoreType.DMA,
            pltpu.SemaphoreType.DMA,
        ],
    )(_sc_body)
    return k(pf, enc, zeros)


def _make_final_body(n_depth):
    def _final_body(tab_ref, acc_ref, out_ref):
        x = tab_ref[...]
        se = jnp.sum(x[0], axis=0, keepdims=True)
        cn = jnp.sum(x[1], axis=0, keepdims=True)
        sum_e = jnp.concatenate(
            [se[:, c * TABW:(c + 1) * TABW] for c in range(C)], axis=0)
        cnt_x = jnp.concatenate(
            [cn[:, c * TABW:(c + 1) * TABW] for c in range(C)], axis=0)
        cnt = cnt_x[:, :KBINS]
        epos = cnt_x[:, EPOS_COL:EPOS_COL + 1]
        g = jnp.sum(cnt, axis=1, keepdims=True)
        q = cnt
        sh = 1
        while sh < KBINS:
            z = jnp.zeros((C, sh), jnp.float32)
            q = q + jnp.concatenate([z, q[:, :-sh]], axis=1)
            sh *= 2
        w = g - q + 0.5 * cnt
        t = (jnp.sum(sum_e[:, :KBINS] * w, axis=1, keepdims=True)
             + 0.5 * epos)
        e_tot = jnp.sum(sum_e, axis=1, keepdims=True)
        gs = jnp.maximum(g, 1.0)
        vals = jnp.where(g > 0, e_tot - t / gs, 0.0)
        m = (g > 0).astype(jnp.float32)
        n = jnp.sum(m)
        seg = jnp.where(n > 0, jnp.sum(vals * m) / jnp.maximum(n, 1.0), 0.0)
        depth = jnp.sum(acc_ref[...]) / (8.0 * 128.0) / n_depth
        out_ref[0, 0] = seg + 0.5 * depth

    return _final_body


def _run_final(tables, acc, n_depth):
    out = pl.pallas_call(
        _make_final_body(n_depth),
        in_specs=[
            pl.BlockSpec((2, NW, TABSZ), lambda: (0, 0, 0)),
            pl.BlockSpec((8, 128), lambda: (0, 0)),
        ],
        out_specs=pl.BlockSpec(memory_space=pltpu.SMEM),
        out_shape=jax.ShapeDtypeStruct((1, 1), jnp.float32),
    )(tables, acc)
    return out.reshape(())


def kernel(logits, target, depth_pred, depth_true):
    B, _, H, W = logits.shape
    probas, enc, acc = _run_softmax(logits, target, depth_pred, depth_true)
    pf = probas.reshape(-1)
    enc_flat = enc.reshape(-1)
    zeros = jnp.zeros((TABSZ,), jnp.float32)
    tables = _run_sc(pf, enc_flat, zeros)
    return _run_final(tables, acc, float(B * H * W))

# --- scband reference (transcript-rebuilt; emitter-appended) ---
"""Pipeline reference for scband-lovasz-combined-loss-31576599560840 (READ-ONLY COPY).

The authoritative reference and input builder live on the scoring server;
editing this copy changes nothing except your own understanding.
"""

import jax, jax.numpy as jnp
import numpy as np


def lovasz_grad(gt_sorted):
    gts = gt_sorted.sum()
    safe = jnp.where(gts == 0, 1.0, gts)
    grad = (gts - jnp.cumsum(gt_sorted)) / safe
    return jnp.where(gts == 0, jnp.zeros_like(gt_sorted), grad)


def lovasz_softmax_flat(probas, labels):
    C = probas.shape[1]
    vals = []
    masks = []
    for c in range(C):
        fg = (labels == c).astype(jnp.float32)
        class_pred = probas[:, c]
        errors = jnp.abs(fg - class_pred)
        perm = jnp.argsort(-errors)
        errors_sorted = errors[perm]
        fg_sorted = fg[perm]
        g = lovasz_grad(fg_sorted)
        vals.append(jnp.dot(errors_sorted, g))
        masks.append((fg.sum() > 0).astype(jnp.float32))
    vals = jnp.stack(vals)
    masks = jnp.stack(masks)
    n = masks.sum()
    return jnp.where(n > 0, (vals * masks).sum() / jnp.maximum(n, 1.0), jnp.float32(0.0))


def setup_inputs(seed: int = 0):
    key = jax.random.key(seed)
    k1, k2, k3, k4 = jax.random.split(key, 4)
    B, C, H, W = 4, 19, 384, 384
    logits = jax.random.normal(k1, (B, C, H, W), dtype=jnp.float32)
    target = jax.random.randint(k2, (B, H, W), 0, C, dtype=jnp.int32)
    depth_pred = jax.random.normal(k3, (B, 1, H, W), dtype=jnp.float32)
    depth_true = jax.random.uniform(k4, (B, H, W), dtype=jnp.float32)
    return {"logits": logits, "target": target, "depth_pred": depth_pred, "depth_true": depth_true}


def reference(logits, target, depth_pred, depth_true):
    seg_loss_weight = 1.0
    depth_loss_weight = 0.5
    probas = jax.nn.softmax(logits, axis=1)
    C = logits.shape[1]
    # faithful to torch: probas.view(-1, C) on contiguous [B, C, H, W]
    probas_flat = probas.reshape(-1, C)
    labels_flat = target.reshape(-1)
    seg_loss_val = lovasz_softmax_flat(probas_flat, labels_flat)
    dp = depth_pred
    if dp.ndim == 4 and dp.shape[1] == 1:
        dp = dp[:, 0]
    dt = depth_true
    if dt.ndim == 4 and dt.shape[1] == 1:
        dt = dt[:, 0]
    depth_loss_val = jnp.mean(jnp.abs(dp - dt))
    return seg_loss_weight * seg_loss_val + depth_loss_weight * depth_loss_val

if __name__ == "__main__":
    import jax
    _d = setup_inputs()
    print(jax.jit(kernel)(*tuple(_d.values())))

</pallas_src>

<mosaic_0001>
#map = affine_map<(d0, d1) -> (0)>
#map1 = affine_map<(d0, d1) -> (0, 0, 0)>
module attributes {stable_mosaic.version = 14 : i64} {
  func.func @_sc_body(%arg0: i32, %arg1: i32, %arg2: memref<11206656xf32, #tpu.memory_space<hbm>>, %arg3: memref<589824xf32, #tpu.memory_space<hbm>>, %arg4: memref<21888xf32, #tpu.memory_space<hbm>>, %arg5: memref<2x32x21888xf32, #tpu.memory_space<hbm>>, %arg6: memref<21888xf32, #tpu.memory_space<vmem>>, %arg7: memref<21888xf32, #tpu.memory_space<vmem>>, %arg8: memref<21888xf32, #tpu.memory_space<vmem>>, %arg9: memref<21888xf32, #tpu.memory_space<vmem>>, %arg10: memref<9216xf32, #tpu.memory_space<vmem>>, %arg11: memref<!tpu.dma_semaphore, #tpu.memory_space<semaphore_mem>>, %arg12: memref<!tpu.dma_semaphore, #tpu.memory_space<semaphore_mem>>) attributes {dimension_semantics = [#tpu.dimension_semantics<core_parallel>, #tpu.dimension_semantics<subcore_parallel>], iteration_bounds = array<i64: 2, 16>, scalar_prefetch = 0 : i64, scratch_operands = 7 : i64, tpu.core_type = #tpu.core_type<sc_vector_subcore>, window_params = [{transform_indices = #map}, {transform_indices = #map}, {transform_indices = #map}, {transform_indices = #map1}]} {
    %mul3A = arith.constant 2 : i32
    %mul3A_0 = arith.muli %arg1, %mul3A : i32
    %add3A = arith.addi %mul3A_0, %arg0 : i32
    %iota3A = tpu.iota {dimensions = array<i32: 0>} : vector<16xi32>
    "tpu.region"() ({
      %run_scoped3A_28 = tpu.sem_alloc : memref<!tpu.dma_semaphore, #tpu.memory_space<semaphore_mem>>
      tpu.enqueue_dma source(%arg4 : memref<21888xf32, #tpu.memory_space<hbm>>) target(%arg6 : memref<21888xf32, #tpu.memory_space<vmem>>) target_semaphore(%run_scoped3A_28 : memref<!tpu.dma_semaphore, #tpu.memory_space<semaphore_mem>>)
      tpu.wait_dma2 semaphore(%run_scoped3A_28 : memref<!tpu.dma_semaphore, #tpu.memory_space<semaphore_mem>>) src(%arg4 : memref<21888xf32, #tpu.memory_space<hbm>>) dst(%arg6 : memref<21888xf32, #tpu.memory_space<vmem>>)
      tpu.yield
    }) : () -> ()
    "tpu.region"() ({
      %run_scoped3A_28 = tpu.sem_alloc : memref<!tpu.dma_semaphore, #tpu.memory_space<semaphore_mem>>
      tpu.enqueue_dma source(%arg4 : memref<21888xf32, #tpu.memory_space<hbm>>) target(%arg7 : memref<21888xf32, #tpu.memory_space<vmem>>) target_semaphore(%run_scoped3A_28 : memref<!tpu.dma_semaphore, #tpu.memory_space<semaphore_mem>>)
      tpu.wait_dma2 semaphore(%run_scoped3A_28 : memref<!tpu.dma_semaphore, #tpu.memory_space<semaphore_mem>>) src(%arg4 : memref<21888xf32, #tpu.memory_space<hbm>>) dst(%arg7 : memref<21888xf32, #tpu.memory_space<vmem>>)
      tpu.yield
    }) : () -> ()
    %mul3A_1 = arith.constant 350208 : i32
    %mul3A_2 = arith.muli %add3A, %mul3A_1 : i32
    %add3A_3 = arith.constant 0 : i32
    %add3A_4 = arith.addi %mul3A_2, %add3A_3 : i32
    %multiple_of3A = tpu.assume_multiple %add3A_4, 8 : i32
    %dma_start3A = tpu.memref_slice %arg2[%multiple_of3A] : memref<11206656xf32, #tpu.memory_space<hbm>> -> memref<21888xf32, #tpu.memory_space<hbm>>
    %dma_start3A_5 = tpu.memref_slice %arg2[%multiple_of3A] : memref<11206656xf32, #tpu.memory_space<hbm>> -> memref<21888xf32, #tpu.memory_space<hbm>>
    tpu.enqueue_dma source(%dma_start3A_5 : memref<21888xf32, #tpu.memory_space<hbm>>) target(%arg8 : memref<21888xf32, #tpu.memory_space<vmem>>) target_semaphore(%arg11 : memref<!tpu.dma_semaphore, #tpu.memory_space<semaphore_mem>>)
    %mul3A_6 = arith.constant 350208 : i32
    %mul3A_7 = arith.muli %add3A, %mul3A_6 : i32
    %add3A_8 = arith.constant 21888 : i32
    %add3A_9 = arith.addi %mul3A_7, %add3A_8 : i32
    %multiple_of3A_10 = tpu.assume_multiple %add3A_9, 8 : i32
    %dma_start3A_11 = tpu.memref_slice %arg2[%multiple_of3A_10] : memref<11206656xf32, #tpu.memory_space<hbm>> -> memref<21888xf32, #tpu.memory_space<hbm>>
    %dma_start3A_12 = tpu.memref_slice %arg2[%multiple_of3A_10] : memref<11206656xf32, #tpu.memory_space<hbm>> -> memref<21888xf32, #tpu.memory_space<hbm>>
    tpu.enqueue_dma source(%dma_start3A_12 : memref<21888xf32, #tpu.memory_space<hbm>>) target(%arg9 : memref<21888xf32, #tpu.memory_space<vmem>>) target_semaphore(%arg12 : memref<!tpu.dma_semaphore, #tpu.memory_space<semaphore_mem>>)
    %scan3A = arith.constant 0 : i32
    %scan3A_13 = arith.constant 0 : i32
    %scan3A_14 = arith.constant 8 : i32
    %scan3A_15 = arith.addi %scan3A_13, %scan3A_14 : i32
    %scan3A_16 = arith.constant 1 : i32
    scf.for %scan3A_28 = %scan3A_13 to %scan3A_15 step %scan3A_16  : i32 {
      %dma_wait3A = arith.constant 0 : i32
      %dma_wait3A_29 = tpu.memref_slice %arg2[%dma_wait3A] : memref<11206656xf32, #tpu.memory_space<hbm>> -> memref<21888xf32, #tpu.memory_space<hbm>>
      %dma_wait3A_30 = arith.constant 0 : i32
      %dma_wait3A_31 = tpu.memref_slice %arg2[%dma_wait3A_30] : memref<11206656xf32, #tpu.memory_space<hbm>> -> memref<21888xf32, #tpu.memory_space<hbm>>
      tpu.wait_dma2 semaphore(%arg11 : memref<!tpu.dma_semaphore, #tpu.memory_space<semaphore_mem>>) src(%dma_wait3A_31 : memref<21888xf32, #tpu.memory_space<hbm>>) dst(%arg8 : memref<21888xf32, #tpu.memory_space<vmem>>)
      %mul3A_32 = arith.constant 1152 : i32
      %mul3A_33 = vector.broadcast %mul3A_32 : i32 to vector<16xi32>
      %mul3A_34 = arith.muli %iota3A, %mul3A_33 : vector<16xi32>
      %parallel_loop3A = arith.constant 0 : i32
      %parallel_loop3A_35 = arith.constant 1368 : i32
      %parallel_loop3A_36 = arith.constant 1 : i32
      %parallel_loop3A_37 = scf.for %parallel_loop3A_64 = %parallel_loop3A to %parallel_loop3A_35 step %parallel_loop3A_36 iter_args(%parallel_loop3A_65 = %mul3A_34) -> (vector<16xi32>)  : i32 {
        %parallel_loop3A_66 = arith.constant 16 : i32
        %parallel_loop3A_67 = arith.muli %parallel_loop3A_64, %parallel_loop3A_66 : i32
        %parallel_loop3A_68 = arith.index_cast %parallel_loop3A_67 : i32 to index
        %parallel_loop3A_69 = tpu.vector_load %arg8[%parallel_loop3A_68] {strides = array<i32>} : memref<21888xf32, #tpu.memory_space<vmem>>, vector<16xf32>,
        %parallel_loop3A_70 = arith.constant 1.024000e+03 : f32
        %parallel_loop3A_71 = vector.broadcast %parallel_loop3A_70 : f32 to vector<16xf32>
        %parallel_loop3A_72 = arith.mulf %parallel_loop3A_69, %parallel_loop3A_71 : vector<16xf32>
        %parallel_loop3A_73 = arith.fptosi %parallel_loop3A_72 : vector<16xf32> to vector<16xi32>
        %parallel_loop3A_74 = arith.addi %parallel_loop3A_65, %parallel_loop3A_73 : vector<16xi32>
        tpu.vector_store_idx %arg6[%parallel_loop3A_74], %parallel_loop3A_69 {add = true} : memref<21888xf32, #tpu.memory_space<vmem>>[vector<16xi32>], vector<16xf32>,
        %parallel_loop3A_75 = arith.constant 18432 : i32
        %parallel_loop3A_76 = vector.broadcast %parallel_loop3A_75 : i32 to vector<16xi32>
        %parallel_loop3A_77 = arith.addi %parallel_loop3A_65, %parallel_loop3A_76 : vector<16xi32>
        %parallel_loop3A_78 = arith.constant 21888 : i32
        %parallel_loop3A_79 = vector.broadcast %parallel_loop3A_78 : i32 to vector<16xi32>
        %parallel_loop3A_80 = arith.cmpi sge, %parallel_loop3A_77, %parallel_loop3A_79 : vector<16xi32>
        %parallel_loop3A_81 = arith.constant 21888 : i32
        %parallel_loop3A_82 = vector.broadcast %parallel_loop3A_81 : i32 to vector<16xi32>
        %parallel_loop3A_83 = arith.subi %parallel_loop3A_77, %parallel_loop3A_82 : vector<16xi32>
        %parallel_loop3A_84 = arith.select %parallel_loop3A_80, %parallel_loop3A_83, %parallel_loop3A_77 : vector<16xi1>, vector<16xi32>
        scf.yield %parallel_loop3A_84 : vector<16xi32>
      } {sc.loop_unroll_factor = 8 : i64, sc.parallel_access}
      %mul3A_38 = arith.constant 2 : i32
      %mul3A_39 = arith.muli %mul3A_38, %scan3A_28 : i32
      %add3A_40 = arith.constant 2 : i32
      %add3A_41 = arith.addi %mul3A_39, %add3A_40 : i32
      %lt3A = arith.constant 16 : i32
      %lt3A_42 = arith.cmpi slt, %add3A_41, %lt3A : i32
      %convert_element_type3A = arith.extui %lt3A_42 : i1 to i32
      %cond3A = arith.constant 0 : i32
      %cond3A_43 = arith.cmpi ne, %convert_element_type3A, %cond3A : i32
      scf.if %cond3A_43 {
        %mul3A_64 = arith.constant 2 : i32
        %mul3A_65 = arith.muli %mul3A_64, %scan3A_28 : i32
        %add3A_66 = arith.constant 2 : i32
        %add3A_67 = arith.addi %mul3A_65, %add3A_66 : i32
        %mul3A_68 = arith.constant 350208 : i32
        %mul3A_69 = arith.muli %add3A, %mul3A_68 : i32
        %mul3A_70 = arith.constant 21888 : i32
        %mul3A_71 = arith.muli %add3A_67, %mul3A_70 : i32
        %add3A_72 = arith.addi %mul3A_69, %mul3A_71 : i32
        %multiple_of3A_73 = tpu.assume_multiple %add3A_72, 8 : i32
        %dma_start3A_74 = tpu.memref_slice %arg2[%multiple_of3A_73] : memref<11206656xf32, #tpu.memory_space<hbm>> -> memref<21888xf32, #tpu.memory_space<hbm>>
        %dma_start3A_75 = tpu.memref_slice %arg2[%multiple_of3A_73] : memref<11206656xf32, #tpu.memory_space<hbm>> -> memref<21888xf32, #tpu.memory_space<hbm>>
        tpu.enqueue_dma source(%dma_start3A_75 : memref<21888xf32, #tpu.memory_space<hbm>>) target(%arg8 : memref<21888xf32, #tpu.memory_space<vmem>>) target_semaphore(%arg11 : memref<!tpu.dma_semaphore, #tpu.memory_space<semaphore_mem>>)
      } else {
      }
      %dma_wait3A_44 = arith.constant 0 : i32
      %dma_wait3A_45 = tpu.memref_slice %arg2[%dma_wait3A_44] : memref<11206656xf32, #tpu.memory_space<hbm>> -> memref<21888xf32, #tpu.memory_space<hbm>>
      %dma_wait3A_46 = arith.constant 0 : i32
      %dma_wait3A_47 = tpu.memref_slice %arg2[%dma_wait3A_46] : memref<11206656xf32, #tpu.memory_space<hbm>> -> memref<21888xf32, #tpu.memory_space<hbm>>
      tpu.wait_dma2 semaphore(%arg12 : memref<!tpu.dma_semaphore, #tpu.memory_space<semaphore_mem>>) src(%dma_wait3A_47 : memref<21888xf32, #tpu.memory_space<hbm>>) dst(%arg9 : memref<21888xf32, #tpu.memory_space<vmem>>)
      %mul3A_48 = arith.constant 1152 : i32
      %mul3A_49 = vector.broadcast %mul3A_48 : i32 to vector<16xi32>
      %mul3A_50 = arith.muli %iota3A, %mul3A_49 : vector<16xi32>
      %parallel_loop3A_51 = arith.constant 0 : i32
      %parallel_loop3A_52 = arith.constant 1368 : i32
      %parallel_loop3A_53 = arith.constant 1 : i32
      %parallel_loop3A_54 = scf.for %parallel_loop3A_64 = %parallel_loop3A_51 to %parallel_loop3A_52 step %parallel_loop3A_53 iter_args(%parallel_loop3A_65 = %mul3A_50) -> (vector<16xi32>)  : i32 {
        %parallel_loop3A_66 = arith.constant 16 : i32
        %parallel_loop3A_67 = arith.muli %parallel_loop3A_64, %parallel_loop3A_66 : i32
        %parallel_loop3A_68 = arith.index_cast %parallel_loop3A_67 : i32 to index
        %parallel_loop3A_69 = tpu.vector_load %arg9[%parallel_loop3A_68] {strides = array<i32>} : memref<21888xf32, #tpu.memory_space<vmem>>, vector<16xf32>,
        %parallel_loop3A_70 = arith.constant 1.024000e+03 : f32
        %parallel_loop3A_71 = vector.broadcast %parallel_loop3A_70 : f32 to vector<16xf32>
        %parallel_loop3A_72 = arith.mulf %parallel_loop3A_69, %parallel_loop3A_71 : vector<16xf32>
        %parallel_loop3A_73 = arith.fptosi %parallel_loop3A_72 : vector<16xf32> to vector<16xi32>
        %parallel_loop3A_74 = arith.addi %parallel_loop3A_65, %parallel_loop3A_73 : vector<16xi32>
        tpu.vector_store_idx %arg6[%parallel_loop3A_74], %parallel_loop3A_69 {add = true} : memref<21888xf32, #tpu.memory_space<vmem>>[vector<16xi32>], vector<16xf32>,
        %parallel_loop3A_75 = arith.constant 18432 : i32
        %parallel_loop3A_76 = vector.broadcast %parallel_loop3A_75 : i32 to vector<16xi32>
        %parallel_loop3A_77 = arith.addi %parallel_loop3A_65, %parallel_loop3A_76 : vector<16xi32>
        %parallel_loop3A_78 = arith.constant 21888 : i32
        %parallel_loop3A_79 = vector.broadcast %parallel_loop3A_78 : i32 to vector<16xi32>
        %parallel_loop3A_80 = arith.cmpi sge, %parallel_loop3A_77, %parallel_loop3A_79 : vector<16xi32>
        %parallel_loop3A_81 = arith.constant 21888 : i32
        %parallel_loop3A_82 = vector.broadcast %parallel_loop3A_81 : i32 to vector<16xi32>
        %parallel_loop3A_83 = arith.subi %parallel_loop3A_77, %parallel_loop3A_82 : vector<16xi32>
        %parallel_loop3A_84 = arith.select %parallel_loop3A_80, %parallel_loop3A_83, %parallel_loop3A_77 : vector<16xi1>, vector<16xi32>
        scf.yield %parallel_loop3A_84 : vector<16xi32>
      } {sc.loop_unroll_factor = 8 : i64, sc.parallel_access}
      %mul3A_55 = arith.constant 2 : i32
      %mul3A_56 = arith.muli %mul3A_55, %scan3A_28 : i32
      %add3A_57 = arith.constant 3 : i32
      %add3A_58 = arith.addi %mul3A_56, %add3A_57 : i32
      %lt3A_59 = arith.constant 16 : i32
      %lt3A_60 = arith.cmpi slt, %add3A_58, %lt3A_59 : i32
      %convert_element_type3A_61 = arith.extui %lt3A_60 : i1 to i32
      %cond3A_62 = arith.constant 0 : i32
      %cond3A_63 = arith.cmpi ne, %convert_element_type3A_61, %cond3A_62 : i32
      scf.if %cond3A_63 {
        %mul3A_64 = arith.constant 2 : i32
        %mul3A_65 = arith.muli %mul3A_64, %scan3A_28 : i32
        %add3A_66 = arith.constant 3 : i32
        %add3A_67 = arith.addi %mul3A_65, %add3A_66 : i32
        %mul3A_68 = arith.constant 350208 : i32
        %mul3A_69 = arith.muli %add3A, %mul3A_68 : i32
        %mul3A_70 = arith.constant 21888 : i32
        %mul3A_71 = arith.muli %add3A_67, %mul3A_70 : i32
        %add3A_72 = arith.addi %mul3A_69, %mul3A_71 : i32
        %multiple_of3A_73 = tpu.assume_multiple %add3A_72, 8 : i32
        %dma_start3A_74 = tpu.memref_slice %arg2[%multiple_of3A_73] : memref<11206656xf32, #tpu.memory_space<hbm>> -> memref<21888xf32, #tpu.memory_space<hbm>>
        %dma_start3A_75 = tpu.memref_slice %arg2[%multiple_of3A_73] : memref<11206656xf32, #tpu.memory_space<hbm>> -> memref<21888xf32, #tpu.memory_space<hbm>>
        tpu.enqueue_dma source(%dma_start3A_75 : memref<21888xf32, #tpu.memory_space<hbm>>) target(%arg9 : memref<21888xf32, #tpu.memory_space<vmem>>) target_semaphore(%arg12 : memref<!tpu.dma_semaphore, #tpu.memory_space<semaphore_mem>>)
      } else {
      }
    }
    %scan3A_17 = arith.constant 8 : i32
    %broadcast_in_dim3A = arith.constant 1.000000e+00 : f32
    %broadcast_in_dim3A_18 = vector.broadcast %broadcast_in_dim3A : f32 to vector<16xf32>
    %broadcast_in_dim3A_19 = arith.constant 1024 : i32
    %broadcast_in_dim3A_20 = vector.broadcast %broadcast_in_dim3A_19 : i32 to vector<16xi32>
    %scan3A_21 = arith.constant 0 : i32
    %scan3A_22 = arith.constant 0 : i32
    %scan3A_23 = arith.constant 2 : i32
    %scan3A_24 = arith.addi %scan3A_22, %scan3A_23 : i32
    %scan3A_25 = arith.constant 1 : i32
    scf.for %scan3A_28 = %scan3A_22 to %scan3A_24 step %scan3A_25  : i32 {
      %mul3A_29 = arith.constant 18432 : i32
      %mul3A_30 = arith.muli %add3A, %mul3A_29 : i32
      %mul3A_31 = arith.constant 9216 : i32
      %mul3A_32 = arith.muli %scan3A_28, %mul3A_31 : i32
      %add3A_33 = arith.addi %mul3A_30, %mul3A_32 : i32
      %multiple_of3A_34 = tpu.assume_multiple %add3A_33, 8 : i32
      "tpu.region"() ({
        %run_scoped3A_37 = tpu.sem_alloc : memref<!tpu.dma_semaphore, #tpu.memory_space<semaphore_mem>>
        %dma_start3A_38 = tpu.memref_slice %arg3[%multiple_of3A_34] : memref<589824xf32, #tpu.memory_space<hbm>> -> memref<9216xf32, #tpu.memory_space<hbm>>
        %dma_start3A_39 = tpu.memref_slice %arg3[%multiple_of3A_34] : memref<589824xf32, #tpu.memory_space<hbm>> -> memref<9216xf32, #tpu.memory_space<hbm>>
        tpu.enqueue_dma source(%dma_start3A_39 : memref<9216xf32, #tpu.memory_space<hbm>>) target(%arg10 : memref<9216xf32, #tpu.memory_space<vmem>>) target_semaphore(%run_scoped3A_37 : memref<!tpu.dma_semaphore, #tpu.memory_space<semaphore_mem>>)
        %dma_wait3A = tpu.memref_slice %arg3[%multiple_of3A_34] : memref<589824xf32, #tpu.memory_space<hbm>> -> memref<9216xf32, #tpu.memory_space<hbm>>
        %dma_wait3A_40 = tpu.memref_slice %arg3[%multiple_of3A_34] : memref<589824xf32, #tpu.memory_space<hbm>> -> memref<9216xf32, #tpu.memory_space<hbm>>
        tpu.wait_dma2 semaphore(%run_scoped3A_37 : memref<!tpu.dma_semaphore, #tpu.memory_space<semaphore_mem>>) src(%dma_wait3A_40 : memref<9216xf32, #tpu.memory_space<hbm>>) dst(%arg10 : memref<9216xf32, #tpu.memory_space<vmem>>)
        tpu.yield
      }) : () -> ()
      %parallel_loop3A = arith.constant 0 : i32
      %parallel_loop3A_35 = arith.constant 576 : i32
      %parallel_loop3A_36 = arith.constant 1 : i32
      scf.for %parallel_loop3A_37 = %parallel_loop3A to %parallel_loop3A_35 step %parallel_loop3A_36  : i32 {
        %parallel_loop3A_38 = arith.constant 16 : i32
        %parallel_loop3A_39 = arith.muli %parallel_loop3A_37, %parallel_loop3A_38 : i32
        %parallel_loop3A_40 = arith.index_cast %parallel_loop3A_39 : i32 to index
        %parallel_loop3A_41 = tpu.vector_load %arg10[%parallel_loop3A_40] {strides = array<i32>} : memref<9216xf32, #tpu.memory_space<vmem>>, vector<16xf32>,
        %parallel_loop3A_42 = arith.constant 5.000000e-01 : f32
        %parallel_loop3A_43 = vector.broadcast %parallel_loop3A_42 : f32 to vector<16xf32>
        %parallel_loop3A_44 = arith.mulf %parallel_loop3A_41, %parallel_loop3A_43 : vector<16xf32>
        %parallel_loop3A_45 = arith.fptosi %parallel_loop3A_44 : vector<16xf32> to vector<16xi32>
        %parallel_loop3A_46 = arith.sitofp %parallel_loop3A_45 : vector<16xi32> to vector<16xf32>
        %parallel_loop3A_47 = arith.constant 2.000000e+00 : f32
        %parallel_loop3A_48 = vector.broadcast %parallel_loop3A_47 : f32 to vector<16xf32>
        %parallel_loop3A_49 = arith.mulf %parallel_loop3A_48, %parallel_loop3A_46 : vector<16xf32>
        %parallel_loop3A_50 = arith.subf %parallel_loop3A_41, %parallel_loop3A_49 : vector<16xf32>
        %parallel_loop3A_51 = arith.constant 1.000000e+00 : f32
        %parallel_loop3A_52 = vector.broadcast %parallel_loop3A_51 : f32 to vector<16xf32>
        %parallel_loop3A_53 = arith.subf %parallel_loop3A_52, %parallel_loop3A_50 : vector<16xf32>
        %parallel_loop3A_54 = arith.constant 1.024000e+03 : f32
        %parallel_loop3A_55 = vector.broadcast %parallel_loop3A_54 : f32 to vector<16xf32>
        %parallel_loop3A_56 = arith.mulf %parallel_loop3A_50, %parallel_loop3A_55 : vector<16xf32>
        %parallel_loop3A_57 = arith.fptosi %parallel_loop3A_56 : vector<16xf32> to vector<16xi32>
        %parallel_loop3A_58 = arith.constant 1023 : i32
        %parallel_loop3A_59 = vector.broadcast %parallel_loop3A_58 : i32 to vector<16xi32>
        %parallel_loop3A_60 = arith.minsi %parallel_loop3A_57, %parallel_loop3A_59 : vector<16xi32>
        %parallel_loop3A_61 = arith.constant 1.024000e+03 : f32
        %parallel_loop3A_62 = vector.broadcast %parallel_loop3A_61 : f32 to vector<16xf32>
        %parallel_loop3A_63 = arith.mulf %parallel_loop3A_53, %parallel_loop3A_62 : vector<16xf32>
        %parallel_loop3A_64 = arith.fptosi %parallel_loop3A_63 : vector<16xf32> to vector<16xi32>
        %parallel_loop3A_65 = arith.constant 1023 : i32
        %parallel_loop3A_66 = vector.broadcast %parallel_loop3A_65 : i32 to vector<16xi32>
        %parallel_loop3A_67 = arith.minsi %parallel_loop3A_64, %parallel_loop3A_66 : vector<16xi32>
        %parallel_loop3A_68 = arith.constant 1152 : i32
        %parallel_loop3A_69 = vector.broadcast %parallel_loop3A_68 : i32 to vector<16xi32>
        %parallel_loop3A_70 = arith.muli %parallel_loop3A_45, %parallel_loop3A_69 : vector<16xi32>
        %parallel_loop3A_71 = arith.addi %parallel_loop3A_70, %parallel_loop3A_60 : vector<16xi32>
        %parallel_loop3A_72 = arith.constant 0.000000e+00 : f32
        %parallel_loop3A_73 = vector.broadcast %parallel_loop3A_72 : f32 to vector<16xf32>
        %parallel_loop3A_74 = arith.subf %parallel_loop3A_73, %parallel_loop3A_50 : vector<16xf32>
        tpu.vector_store_idx %arg6[%parallel_loop3A_71], %parallel_loop3A_74 {add = true} : memref<21888xf32, #tpu.memory_space<vmem>>[vector<16xi32>], vector<16xf32>,
        %parallel_loop3A_75 = arith.addi %parallel_loop3A_70, %parallel_loop3A_67 : vector<16xi32>
        tpu.vector_store_idx %arg6[%parallel_loop3A_75], %parallel_loop3A_53 {add = true} : memref<21888xf32, #tpu.memory_space<vmem>>[vector<16xi32>], vector<16xf32>,
        %parallel_loop3A_76 = arith.addi %parallel_loop3A_70, %parallel_loop3A_67 : vector<16xi32>
        tpu.vector_store_idx %arg7[%parallel_loop3A_76], %broadcast_in_dim3A_18 {add = true} : memref<21888xf32, #tpu.memory_space<vmem>>[vector<16xi32>], vector<16xf32>,
        %parallel_loop3A_77 = arith.addi %parallel_loop3A_70, %broadcast_in_dim3A_20 : vector<16xi32>
        tpu.vector_store_idx %arg7[%parallel_loop3A_77], %parallel_loop3A_53 {add = true} : memref<21888xf32, #tpu.memory_space<vmem>>[vector<16xi32>], vector<16xf32>,
      } {sc.loop_unroll_factor = 4 : i64, sc.parallel_access}
    }
    %scan3A_26 = arith.constant 2 : i32
    %run_scoped3A = arith.constant 0 : i32
    "tpu.region"() ({
      %run_scoped3A_28 = tpu.sem_alloc : memref<!tpu.dma_semaphore, #tpu.memory_space<semaphore_mem>>
      %dma_start3A_29 = arith.constant 0 : i32
      %dma_start3A_30 = tpu.memref_slice %arg5[%run_scoped3A, %add3A, %dma_start3A_29] : memref<2x32x21888xf32, #tpu.memory_space<hbm>> -> memref<1x1x21888xf32, #tpu.memory_space<hbm>>
      %dma_start3A_31 = tpu.memref_squeeze %dma_start3A_30 : memref<1x1x21888xf32, #tpu.memory_space<hbm>> -> memref<21888xf32, #tpu.memory_space<hbm>>
      %dma_start3A_32 = arith.constant 0 : i32
      %dma_start3A_33 = tpu.memref_slice %arg5[%run_scoped3A, %add3A, %dma_start3A_32] : memref<2x32x21888xf32, #tpu.memory_space<hbm>> -> memref<1x1x21888xf32, #tpu.memory_space<hbm>>
      %dma_start3A_34 = tpu.memref_squeeze %dma_start3A_33 : memref<1x1x21888xf32, #tpu.memory_space<hbm>> -> memref<21888xf32, #tpu.memory_space<hbm>>
      tpu.enqueue_dma source(%arg6 : memref<21888xf32, #tpu.memory_space<vmem>>) target(%dma_start3A_34 : memref<21888xf32, #tpu.memory_space<hbm>>) target_semaphore(%run_scoped3A_28 : memref<!tpu.dma_semaphore, #tpu.memory_space<semaphore_mem>>)
      %dma_wait3A = arith.constant 0 : i32
      %dma_wait3A_35 = tpu.memref_slice %arg5[%run_scoped3A, %add3A, %dma_wait3A] : memref<2x32x21888xf32, #tpu.memory_space<hbm>> -> memref<1x1x21888xf32, #tpu.memory_space<hbm>>
      %dma_wait3A_36 = tpu.memref_squeeze %dma_wait3A_35 : memref<1x1x21888xf32, #tpu.memory_space<hbm>> -> memref<21888xf32, #tpu.memory_space<hbm>>
      %dma_wait3A_37 = arith.constant 0 : i32
      %dma_wait3A_38 = tpu.memref_slice %arg5[%run_scoped3A, %add3A, %dma_wait3A_37] : memref<2x32x21888xf32, #tpu.memory_space<hbm>> -> memref<1x1x21888xf32, #tpu.memory_space<hbm>>
      %dma_wait3A_39 = tpu.memref_squeeze %dma_wait3A_38 : memref<1x1x21888xf32, #tpu.memory_space<hbm>> -> memref<21888xf32, #tpu.memory_space<hbm>>
      tpu.wait_dma2 semaphore(%run_scoped3A_28 : memref<!tpu.dma_semaphore, #tpu.memory_space<semaphore_mem>>) src(%arg6 : memref<21888xf32, #tpu.memory_space<vmem>>) dst(%dma_wait3A_39 : memref<21888xf32, #tpu.memory_space<hbm>>)
      tpu.yield
    }) : () -> ()
    %run_scoped3A_27 = arith.constant 1 : i32
    "tpu.region"() ({
      %run_scoped3A_28 = tpu.sem_alloc : memref<!tpu.dma_semaphore, #tpu.memory_space<semaphore_mem>>
      %dma_start3A_29 = arith.constant 0 : i32
      %dma_start3A_30 = tpu.memref_slice %arg5[%run_scoped3A_27, %add3A, %dma_start3A_29] : memref<2x32x21888xf32, #tpu.memory_space<hbm>> -> memref<1x1x21888xf32, #tpu.memory_space<hbm>>
      %dma_start3A_31 = tpu.memref_squeeze %dma_start3A_30 : memref<1x1x21888xf32, #tpu.memory_space<hbm>> -> memref<21888xf32, #tpu.memory_space<hbm>>
      %dma_start3A_32 = arith.constant 0 : i32
      %dma_start3A_33 = tpu.memref_slice %arg5[%run_scoped3A_27, %add3A, %dma_start3A_32] : memref<2x32x21888xf32, #tpu.memory_space<hbm>> -> memref<1x1x21888xf32, #tpu.memory_space<hbm>>
      %dma_start3A_34 = tpu.memref_squeeze %dma_start3A_33 : memref<1x1x21888xf32, #tpu.memory_space<hbm>> -> memref<21888xf32, #tpu.memory_space<hbm>>
      tpu.enqueue_dma source(%arg7 : memref<21888xf32, #tpu.memory_space<vmem>>) target(%dma_start3A_34 : memref<21888xf32, #tpu.memory_space<hbm>>) target_semaphore(%run_scoped3A_28 : memref<!tpu.dma_semaphore, #tpu.memory_space<semaphore_mem>>)
      %dma_wait3A = arith.constant 0 : i32
      %dma_wait3A_35 = tpu.memref_slice %arg5[%run_scoped3A_27, %add3A, %dma_wait3A] : memref<2x32x21888xf32, #tpu.memory_space<hbm>> -> memref<1x1x21888xf32, #tpu.memory_space<hbm>>
      %dma_wait3A_36 = tpu.memref_squeeze %dma_wait3A_35 : memref<1x1x21888xf32, #tpu.memory_space<hbm>> -> memref<21888xf32, #tpu.memory_space<hbm>>
      %dma_wait3A_37 = arith.constant 0 : i32
      %dma_wait3A_38 = tpu.memref_slice %arg5[%run_scoped3A_27, %add3A, %dma_wait3A_37] : memref<2x32x21888xf32, #tpu.memory_space<hbm>> -> memref<1x1x21888xf32, #tpu.memory_space<hbm>>
      %dma_wait3A_39 = tpu.memref_squeeze %dma_wait3A_38 : memref<1x1x21888xf32, #tpu.memory_space<hbm>> -> memref<21888xf32, #tpu.memory_space<hbm>>
      tpu.wait_dma2 semaphore(%run_scoped3A_28 : memref<!tpu.dma_semaphore, #tpu.memory_space<semaphore_mem>>) src(%arg7 : memref<21888xf32, #tpu.memory_space<vmem>>) dst(%dma_wait3A_39 : memref<21888xf32, #tpu.memory_space<hbm>>)
      tpu.yield
    }) : () -> ()
    return
  }
}

module attributes {stable_mosaic.version = 14 : i64} {
  func.func @_softmax_body(%arg0: i32, %arg1: i32, %arg2: memref<1x19x48x384xf32, #tpu.memory_space<vmem>>, %arg3: memref<1x48x384xi32, #tpu.memory_space<vmem>>, %arg4: memref<1x1x48x384xf32, #tpu.memory_space<vmem>>, %arg5: memref<1x48x384xf32, #tpu.memory_space<vmem>>, %arg6: memref<1x19x144x128xf32, #tpu.memory_space<vmem>>, %arg7: memref<144x128xf32, #tpu.memory_space<vmem>>, %arg8: memref<8x128xf32, #tpu.memory_space<vmem>>) attributes {dimension_semantics = [#tpu.dimension_semantics<arbitrary>, #tpu.dimension_semantics<arbitrary>], iteration_bounds = array<i64: 4, 8>, scalar_prefetch = 0 : i64, scratch_operands = 0 : i64, tpu.core_type = #tpu.core_type<tc>, window_params = [{transform_indices = @transform_0, window_bounds = array<i64: 1, 19, 48, 384>}, {transform_indices = @transform_1, window_bounds = array<i64: 1, 48, 384>}, {transform_indices = @transform_2, window_bounds = array<i64: 1, 1, 48, 384>}, {transform_indices = @transform_3, window_bounds = array<i64: 1, 48, 384>}, {transform_indices = @transform_4, window_bounds = array<i64: 1, 19, 144, 128>}, {transform_indices = @transform_5, window_bounds = array<i64: 144, 128>}, {pipeline_mode = #tpu.pipeline_mode<synchronous>, transform_indices = @transform_6, window_bounds = array<i64: 8, 128>}]} {
    %get3A = arith.constant 0 : index
    %get3A_0 = arith.constant 0 : index
    %get3A_1 = arith.constant 0 : index
    %get3A_2 = arith.constant 0 : index
    %get3A_3 = vector.load %arg2[%get3A, %get3A_0, %get3A_1, %get3A_2] : memref<1x19x48x384xf32, #tpu.memory_space<vmem>>, vector<1x19x48x384xf32>
    %get3A_4 = vector.shape_cast %get3A_3 : vector<1x19x48x384xf32> to vector<19x48x384xf32>
    %exp3A = math.exp %get3A_4 : vector<19x48x384xf32>
    %reduce_sum3A = arith.constant dense<0.000000e+00> : vector<48x384xf32>
    %reduce_sum3A_5 = vector.multi_reduction <add>, %exp3A, %reduce_sum3A [0] : vector<19x48x384xf32> to vector<48x384xf32>
    %broadcast_in_dim3A = vector.shape_cast %reduce_sum3A_5 : vector<48x384xf32> to vector<1x48x384xf32>
    %div3A = arith.constant 1.000000e+00 : f32
    %div3A_6 = vector.broadcast %div3A : f32 to vector<1x48x384xf32>
    %div3A_7 = arith.divf %div3A_6, %broadcast_in_dim3A : vector<1x48x384xf32>
    %mul3A = vector.broadcast %div3A_7 : vector<1x48x384xf32> to vector<19x48x384xf32>
    %mul3A_8 = arith.mulf %exp3A, %mul3A : vector<19x48x384xf32>
    %reshape3A = vector.shape_cast %mul3A_8 : vector<19x48x384xf32> to vector<19x144x128xf32>
    %swap3A = arith.constant 0 : index
    %swap3A_9 = arith.constant 0 : index
    %swap3A_10 = arith.constant 0 : index
    %swap3A_11 = arith.constant 0 : index
    %swap3A_12 = vector.load %arg6[%swap3A, %swap3A_9, %swap3A_10, %swap3A_11] : memref<1x19x144x128xf32, #tpu.memory_space<vmem>>, vector<1x19x144x128xf32>
    %swap3A_13 = vector.shape_cast %swap3A_12 : vector<1x19x144x128xf32> to vector<19x144x128xf32>
    %swap3A_14 = vector.shape_cast %reshape3A : vector<19x144x128xf32> to vector<1x19x144x128xf32>
    tpu.vector_store %arg6[%swap3A, %swap3A_9, %swap3A_10, %swap3A_11], %swap3A_14 {strides = array<i32>} : memref<1x19x144x128xf32, #tpu.memory_space<vmem>>, vector<1x19x144x128xf32>,
    %get3A_15 = arith.constant 0 : index
    %get3A_16 = arith.constant 0 : index
    %get3A_17 = arith.constant 0 : index
    %get3A_18 = vector.load %arg3[%get3A_15, %get3A_16, %get3A_17] : memref<1x48x384xi32, #tpu.memory_space<vmem>>, vector<1x48x384xi32>
    %get3A_19 = vector.shape_cast %get3A_18 : vector<1x48x384xi32> to vector<48x384xi32>
    %iota3A = tpu.iota {dimensions = array<i32: 0>} : vector<19x48x384xi32>
    %broadcast_in_dim3A_20 = vector.shape_cast %get3A_19 : vector<48x384xi32> to vector<1x48x384xi32>
    %eq3A = vector.broadcast %broadcast_in_dim3A_20 : vector<1x48x384xi32> to vector<19x48x384xi32>
    %eq3A_21 = arith.cmpi eq, %iota3A, %eq3A : vector<19x48x384xi32>
    %jit3A = arith.constant 0.000000e+00 : f32
    %broadcast_in_dim3A_22 = vector.broadcast %jit3A : f32 to vector<19x48x384xf32>
    %select_n3A = arith.select %eq3A_21, %mul3A_8, %broadcast_in_dim3A_22 : vector<19x48x384xi1>, vector<19x48x384xf32>
    %reduce_sum3A_23 = arith.constant dense<0.000000e+00> : vector<48x384xf32>
    %reduce_sum3A_24 = vector.multi_reduction <add>, %select_n3A, %reduce_sum3A_23 [0] : vector<19x48x384xf32> to vector<48x384xf32>
    %convert_element_type3A = arith.sitofp %get3A_19 : vector<48x384xi32> to vector<48x384xf32>
    %mul3A_25 = arith.constant 2.000000e+00 : f32
    %mul3A_26 = vector.broadcast %mul3A_25 : f32 to vector<48x384xf32>
    %mul3A_27 = arith.mulf %mul3A_26, %convert_element_type3A : vector<48x384xf32>
    %add3A = arith.addf %mul3A_27, %reduce_sum3A_24 : vector<48x384xf32>
    %reshape3A_28 = vector.shape_cast %add3A : vector<48x384xf32> to vector<144x128xf32>
    %swap3A_29 = arith.constant 0 : index
    %swap3A_30 = arith.constant 0 : index
    %swap3A_31 = vector.load %arg7[%swap3A_29, %swap3A_30] : memref<144x128xf32, #tpu.memory_space<vmem>>, vector<144x128xf32>
    tpu.vector_store %arg7[%swap3A_29, %swap3A_30], %reshape3A_28 {strides = array<i32>} : memref<144x128xf32, #tpu.memory_space<vmem>>, vector<144x128xf32>,
    %get3A_32 = arith.constant 0 : index
    %get3A_33 = arith.constant 0 : index
    %get3A_34 = arith.constant 0 : index
    %get3A_35 = arith.constant 0 : index
    %get3A_36 = vector.load %arg4[%get3A_32, %get3A_33, %get3A_34, %get3A_35] : memref<1x1x48x384xf32, #tpu.memory_space<vmem>>, vector<1x1x48x384xf32>
    %get3A_37 = vector.shape_cast %get3A_36 : vector<1x1x48x384xf32> to vector<48x384xf32>
    %get3A_38 = arith.constant 0 : index
    %get3A_39 = arith.constant 0 : index
    %get3A_40 = arith.constant 0 : index
    %get3A_41 = vector.load %arg5[%get3A_38, %get3A_39, %get3A_40] : memref<1x48x384xf32, #tpu.memory_space<vmem>>, vector<1x48x384xf32>
    %get3A_42 = vector.shape_cast %get3A_41 : vector<1x48x384xf32> to vector<48x384xf32>
    %sub3A = arith.subf %get3A_37, %get3A_42 : vector<48x384xf32>
    %abs3A = math.absf %sub3A : vector<48x384xf32>
    %reduce_sum3A_43 = vector.shape_cast %abs3A : vector<48x384xf32> to vector<1x48x384xf32>
    %reduce_sum3A_44 = arith.constant dense<0.000000e+00> : vector<1xf32>
    %reduce_sum3A_45 = vector.multi_reduction <add>, %reduce_sum3A_43, %reduce_sum3A_44 [1, 2] : vector<1x48x384xf32> to vector<1xf32>
    %reduce_sum3A_46 = vector.shape_cast %reduce_sum3A_45 : vector<1xf32> to vector<1x1x1xf32>
    %reduce_sum3A_47 = vector.extract %reduce_sum3A_46[0, 0, 0] : f32 from vector<1x1x1xf32>
    %eq3A_48 = arith.constant 0 : i32
    %eq3A_49 = arith.cmpi eq, %arg0, %eq3A_48 : i32
    %eq3A_50 = arith.constant 0 : i32
    %eq3A_51 = arith.cmpi eq, %arg1, %eq3A_50 : i32
    %and3A = arith.andi %eq3A_49, %eq3A_51 : i1
    %convert_element_type3A_52 = arith.extui %and3A : i1 to i32
    %cond3A = arith.constant 0 : i32
    %cond3A_53 = arith.cmpi ne, %convert_element_type3A_52, %cond3A : i32
    scf.if %cond3A_53 {
      %broadcast_in_dim3A_62 = arith.constant 0.000000e+00 : f32
      %broadcast_in_dim3A_63 = vector.broadcast %broadcast_in_dim3A_62 : f32 to vector<8x128xf32>
      %swap3A_64 = arith.constant 0 : index
      %swap3A_65 = arith.constant 0 : index
      %swap3A_66 = vector.load %arg8[%swap3A_64, %swap3A_65] : memref<8x128xf32, #tpu.memory_space<vmem>>, vector<8x128xf32>
      tpu.vector_store %arg8[%swap3A_64, %swap3A_65], %broadcast_in_dim3A_63 {strides = array<i32>} : memref<8x128xf32, #tpu.memory_space<vmem>>, vector<8x128xf32>,
    } else {
    }
    %get3A_54 = arith.constant 0 : index
    %get3A_55 = arith.constant 0 : index
    %get3A_56 = vector.load %arg8[%get3A_54, %get3A_55] : memref<8x128xf32, #tpu.memory_space<vmem>>, vector<8x128xf32>
    %broadcast_in_dim3A_57 = vector.broadcast %reduce_sum3A_47 : f32 to vector<8x128xf32>
    %add3A_58 = arith.addf %get3A_56, %broadcast_in_dim3A_57 : vector<8x128xf32>
    %swap3A_59 = arith.constant 0 : index
    %swap3A_60 = arith.constant 0 : index
    %swap3A_61 = vector.load %arg8[%swap3A_59, %swap3A_60] : memref<8x128xf32, #tpu.memory_space<vmem>>, vector<8x128xf32>
    tpu.vector_store %arg8[%swap3A_59, %swap3A_60], %add3A_58 {strides = array<i32>} : memref<8x128xf32, #tpu.memory_space<vmem>>, vector<8x128xf32>,
    return
  }
  func.func @transform_0(%arg0: i32, %arg1: i32) -> (i32, i32, i32, i32) {
    %c0_i32 = arith.constant 0 : i32
    %c0_i32_0 = arith.constant 0 : i32
    %c0_i32_1 = arith.constant 0 : i32
    return %arg0, %c0_i32, %arg1, %c0_i32_0 : i32, i32, i32, i32
  }
  func.func @transform_1(%arg0: i32, %arg1: i32) -> (i32, i32, i32) {
    %c0_i32 = arith.constant 0 : i32
    %c0_i32_0 = arith.constant 0 : i32
    return %arg0, %arg1, %c0_i32 : i32, i32, i32
  }
  func.func @transform_2(%arg0: i32, %arg1: i32) -> (i32, i32, i32, i32) {
    %c0_i32 = arith.constant 0 : i32
    %c0_i32_0 = arith.constant 0 : i32
    %c0_i32_1 = arith.constant 0 : i32
    return %arg0, %c0_i32, %arg1, %c0_i32_0 : i32, i32, i32, i32
  }
  func.func @transform_3(%arg0: i32, %arg1: i32) -> (i32, i32, i32) {
    %c0_i32 = arith.constant 0 : i32
    %c0_i32_0 = arith.constant 0 : i32
    return %arg0, %arg1, %c0_i32 : i32, i32, i32
  }
  func.func @transform_4(%arg0: i32, %arg1: i32) -> (i32, i32, i32, i32) {
    %c0_i32 = arith.constant 0 : i32
    %c0_i32_0 = arith.constant 0 : i32
    %c0_i32_1 = arith.constant 0 : i32
    return %arg0, %c0_i32, %arg1, %c0_i32_0 : i32, i32, i32, i32
  }
  func.func @transform_5(%arg0: i32, %arg1: i32) -> (i32, i32) {
    %mul3A = arith.constant 8 : i32
    %mul3A_0 = arith.muli %arg0, %mul3A : i32
    %add3A = arith.addi %mul3A_0, %arg1 : i32
    %c0_i32 = arith.constant 0 : i32
    %c0_i32_1 = arith.constant 0 : i32
    return %add3A, %c0_i32 : i32, i32
  }
  func.func @transform_6(%arg0: i32, %arg1: i32) -> (i32, i32) {
    %c0_i32 = arith.constant 0 : i32
    %c0_i32_0 = arith.constant 0 : i32
    %c0_i32_1 = arith.constant 0 : i32
    return %c0_i32, %c0_i32_0 : i32, i32
  }
}

module attributes {stable_mosaic.version = 14 : i64} {
  func.func @_final_body(%arg0: memref<2x32x21888xf32, #tpu.memory_space<vmem>>, %arg1: memref<8x128xf32, #tpu.memory_space<vmem>>, %arg2: memref<1x1xf32, #tpu.memory_space<smem>>) attributes {dimension_semantics = [], scalar_prefetch = 0 : i64, scratch_operands = 0 : i64, tpu.core_type = #tpu.core_type<tc>} {
    %get3A = arith.constant 0 : index
    %get3A_0 = arith.constant 0 : index
    %get3A_1 = arith.constant 0 : index
    %get3A_2 = vector.load %arg0[%get3A, %get3A_0, %get3A_1] : memref<2x32x21888xf32, #tpu.memory_space<vmem>>, vector<2x32x21888xf32>
    %slice3A = vector.extract_strided_slice %get3A_2 {offsets = [0, 0, 0], sizes = [1, 32, 21888], strides = [1, 1, 1]} : vector<2x32x21888xf32> to vector<1x32x21888xf32>
    %squeeze3A = vector.shape_cast %slice3A : vector<1x32x21888xf32> to vector<32x21888xf32>
    %reduce_sum3A = arith.constant dense<0.000000e+00> : vector<21888xf32>
    %reduce_sum3A_3 = vector.multi_reduction <add>, %squeeze3A, %reduce_sum3A [0] : vector<32x21888xf32> to vector<21888xf32>
    %broadcast_in_dim3A = vector.shape_cast %reduce_sum3A_3 : vector<21888xf32> to vector<1x21888xf32>
    %slice3A_4 = vector.extract_strided_slice %get3A_2 {offsets = [1, 0, 0], sizes = [1, 32, 21888], strides = [1, 1, 1]} : vector<2x32x21888xf32> to vector<1x32x21888xf32>
    %squeeze3A_5 = vector.shape_cast %slice3A_4 : vector<1x32x21888xf32> to vector<32x21888xf32>
    %reduce_sum3A_6 = arith.constant dense<0.000000e+00> : vector<21888xf32>
    %reduce_sum3A_7 = vector.multi_reduction <add>, %squeeze3A_5, %reduce_sum3A_6 [0] : vector<32x21888xf32> to vector<21888xf32>
    %broadcast_in_dim3A_8 = vector.shape_cast %reduce_sum3A_7 : vector<21888xf32> to vector<1x21888xf32>
    %slice3A_9 = vector.extract_strided_slice %broadcast_in_dim3A {offsets = [0, 0], sizes = [1, 1152], strides = [1, 1]} : vector<1x21888xf32> to vector<1x1152xf32>
    %slice3A_10 = vector.extract_strided_slice %broadcast_in_dim3A {offsets = [0, 1152], sizes = [1, 1152], strides = [1, 1]} : vector<1x21888xf32> to vector<1x1152xf32>
    %slice3A_11 = vector.extract_strided_slice %broadcast_in_dim3A {offsets = [0, 2304], sizes = [1, 1152], strides = [1, 1]} : vector<1x21888xf32> to vector<1x1152xf32>
    %slice3A_12 = vector.extract_strided_slice %broadcast_in_dim3A {offsets = [0, 3456], sizes = [1, 1152], strides = [1, 1]} : vector<1x21888xf32> to vector<1x1152xf32>
    %slice3A_13 = vector.extract_strided_slice %broadcast_in_dim3A {offsets = [0, 4608], sizes = [1, 1152], strides = [1, 1]} : vector<1x21888xf32> to vector<1x1152xf32>
    %slice3A_14 = vector.extract_strided_slice %broadcast_in_dim3A {offsets = [0, 5760], sizes = [1, 1152], strides = [1, 1]} : vector<1x21888xf32> to vector<1x1152xf32>
    %slice3A_15 = vector.extract_strided_slice %broadcast_in_dim3A {offsets = [0, 6912], sizes = [1, 1152], strides = [1, 1]} : vector<1x21888xf32> to vector<1x1152xf32>
    %slice3A_16 = vector.extract_strided_slice %broadcast_in_dim3A {offsets = [0, 8064], sizes = [1, 1152], strides = [1, 1]} : vector<1x21888xf32> to vector<1x1152xf32>
    %slice3A_17 = vector.extract_strided_slice %broadcast_in_dim3A {offsets = [0, 9216], sizes = [1, 1152], strides = [1, 1]} : vector<1x21888xf32> to vector<1x1152xf32>
    %slice3A_18 = vector.extract_strided_slice %broadcast_in_dim3A {offsets = [0, 10368], sizes = [1, 1152], strides = [1, 1]} : vector<1x21888xf32> to vector<1x1152xf32>
    %slice3A_19 = vector.extract_strided_slice %broadcast_in_dim3A {offsets = [0, 11520], sizes = [1, 1152], strides = [1, 1]} : vector<1x21888xf32> to vector<1x1152xf32>
    %slice3A_20 = vector.extract_strided_slice %broadcast_in_dim3A {offsets = [0, 12672], sizes = [1, 1152], strides = [1, 1]} : vector<1x21888xf32> to vector<1x1152xf32>
    %slice3A_21 = vector.extract_strided_slice %broadcast_in_dim3A {offsets = [0, 13824], sizes = [1, 1152], strides = [1, 1]} : vector<1x21888xf32> to vector<1x1152xf32>
    %slice3A_22 = vector.extract_strided_slice %broadcast_in_dim3A {offsets = [0, 14976], sizes = [1, 1152], strides = [1, 1]} : vector<1x21888xf32> to vector<1x1152xf32>
    %slice3A_23 = vector.extract_strided_slice %broadcast_in_dim3A {offsets = [0, 16128], sizes = [1, 1152], strides = [1, 1]} : vector<1x21888xf32> to vector<1x1152xf32>
    %slice3A_24 = vector.extract_strided_slice %broadcast_in_dim3A {offsets = [0, 17280], sizes = [1, 1152], strides = [1, 1]} : vector<1x21888xf32> to vector<1x1152xf32>
    %slice3A_25 = vector.extract_strided_slice %broadcast_in_dim3A {offsets = [0, 18432], sizes = [1, 1152], strides = [1, 1]} : vector<1x21888xf32> to vector<1x1152xf32>
    %slice3A_26 = vector.extract_strided_slice %broadcast_in_dim3A {offsets = [0, 19584], sizes = [1, 1152], strides = [1, 1]} : vector<1x21888xf32> to vector<1x1152xf32>
    %slice3A_27 = vector.extract_strided_slice %broadcast_in_dim3A {offsets = [0, 20736], sizes = [1, 1152], strides = [1, 1]} : vector<1x21888xf32> to vector<1x1152xf32>
    %concatenate3A = tpu.concatenate %slice3A_9, %slice3A_10, %slice3A_11, %slice3A_12, %slice3A_13, %slice3A_14, %slice3A_15, %slice3A_16, %slice3A_17, %slice3A_18, %slice3A_19, %slice3A_20, %slice3A_21, %slice3A_22, %slice3A_23, %slice3A_24, %slice3A_25, %slice3A_26, %slice3A_27 in 0 : vector<1x1152xf32>, vector<1x1152xf32>, vector<1x1152xf32>, vector<1x1152xf32>, vector<1x1152xf32>, vector<1x1152xf32>, vector<1x1152xf32>, vector<1x1152xf32>, vector<1x1152xf32>, vector<1x1152xf32>, vector<1x1152xf32>, vector<1x1152xf32>, vector<1x1152xf32>, vector<1x1152xf32>, vector<1x1152xf32>, vector<1x1152xf32>, vector<1x1152xf32>, vector<1x1152xf32>, vector<1x1152xf32> -> vector<19x1152xf32>
    %slice3A_28 = vector.extract_strided_slice %broadcast_in_dim3A_8 {offsets = [0, 0], sizes = [1, 1152], strides = [1, 1]} : vector<1x21888xf32> to vector<1x1152xf32>
    %slice3A_29 = vector.extract_strided_slice %broadcast_in_dim3A_8 {offsets = [0, 1152], sizes = [1, 1152], strides = [1, 1]} : vector<1x21888xf32> to vector<1x1152xf32>
    %slice3A_30 = vector.extract_strided_slice %broadcast_in_dim3A_8 {offsets = [0, 2304], sizes = [1, 1152], strides = [1, 1]} : vector<1x21888xf32> to vector<1x1152xf32>
    %slice3A_31 = vector.extract_strided_slice %broadcast_in_dim3A_8 {offsets = [0, 3456], sizes = [1, 1152], strides = [1, 1]} : vector<1x21888xf32> to vector<1x1152xf32>
    %slice3A_32 = vector.extract_strided_slice %broadcast_in_dim3A_8 {offsets = [0, 4608], sizes = [1, 1152], strides = [1, 1]} : vector<1x21888xf32> to vector<1x1152xf32>
    %slice3A_33 = vector.extract_strided_slice %broadcast_in_dim3A_8 {offsets = [0, 5760], sizes = [1, 1152], strides = [1, 1]} : vector<1x21888xf32> to vector<1x1152xf32>
    %slice3A_34 = vector.extract_strided_slice %broadcast_in_dim3A_8 {offsets = [0, 6912], sizes = [1, 1152], strides = [1, 1]} : vector<1x21888xf32> to vector<1x1152xf32>
    %slice3A_35 = vector.extract_strided_slice %broadcast_in_dim3A_8 {offsets = [0, 8064], sizes = [1, 1152], strides = [1, 1]} : vector<1x21888xf32> to vector<1x1152xf32>
    %slice3A_36 = vector.extract_strided_slice %broadcast_in_dim3A_8 {offsets = [0, 9216], sizes = [1, 1152], strides = [1, 1]} : vector<1x21888xf32> to vector<1x1152xf32>
    %slice3A_37 = vector.extract_strided_slice %broadcast_in_dim3A_8 {offsets = [0, 10368], sizes = [1, 1152], strides = [1, 1]} : vector<1x21888xf32> to vector<1x1152xf32>
    %slice3A_38 = vector.extract_strided_slice %broadcast_in_dim3A_8 {offsets = [0, 11520], sizes = [1, 1152], strides = [1, 1]} : vector<1x21888xf32> to vector<1x1152xf32>
    %slice3A_39 = vector.extract_strided_slice %broadcast_in_dim3A_8 {offsets = [0, 12672], sizes = [1, 1152], strides = [1, 1]} : vector<1x21888xf32> to vector<1x1152xf32>
    %slice3A_40 = vector.extract_strided_slice %broadcast_in_dim3A_8 {offsets = [0, 13824], sizes = [1, 1152], strides = [1, 1]} : vector<1x21888xf32> to vector<1x1152xf32>
    %slice3A_41 = vector.extract_strided_slice %broadcast_in_dim3A_8 {offsets = [0, 14976], sizes = [1, 1152], strides = [1, 1]} : vector<1x21888xf32> to vector<1x1152xf32>
    %slice3A_42 = vector.extract_strided_slice %broadcast_in_dim3A_8 {offsets = [0, 16128], sizes = [1, 1152], strides = [1, 1]} : vector<1x21888xf32> to vector<1x1152xf32>
    %slice3A_43 = vector.extract_strided_slice %broadcast_in_dim3A_8 {offsets = [0, 17280], sizes = [1, 1152], strides = [1, 1]} : vector<1x21888xf32> to vector<1x1152xf32>
    %slice3A_44 = vector.extract_strided_slice %broadcast_in_dim3A_8 {offsets = [0, 18432], sizes = [1, 1152], strides = [1, 1]} : vector<1x21888xf32> to vector<1x1152xf32>
    %slice3A_45 = vector.extract_strided_slice %broadcast_in_dim3A_8 {offsets = [0, 19584], sizes = [1, 1152], strides = [1, 1]} : vector<1x21888xf32> to vector<1x1152xf32>
    %slice3A_46 = vector.extract_strided_slice %broadcast_in_dim3A_8 {offsets = [0, 20736], sizes = [1, 1152], strides = [1, 1]} : vector<1x21888xf32> to vector<1x1152xf32>
    %concatenate3A_47 = tpu.concatenate %slice3A_28, %slice3A_29, %slice3A_30, %slice3A_31, %slice3A_32, %slice3A_33, %slice3A_34, %slice3A_35, %slice3A_36, %slice3A_37, %slice3A_38, %slice3A_39, %slice3A_40, %slice3A_41, %slice3A_42, %slice3A_43, %slice3A_44, %slice3A_45, %slice3A_46 in 0 : vector<1x1152xf32>, vector<1x1152xf32>, vector<1x1152xf32>, vector<1x1152xf32>, vector<1x1152xf32>, vector<1x1152xf32>, vector<1x1152xf32>, vector<1x1152xf32>, vector<1x1152xf32>, vector<1x1152xf32>, vector<1x1152xf32>, vector<1x1152xf32>, vector<1x1152xf32>, vector<1x1152xf32>, vector<1x1152xf32>, vector<1x1152xf32>, vector<1x1152xf32>, vector<1x1152xf32>, vector<1x1152xf32> -> vector<19x1152xf32>
    %slice3A_48 = vector.extract_strided_slice %concatenate3A_47 {offsets = [0, 0], sizes = [19, 1024], strides = [1, 1]} : vector<19x1152xf32> to vector<19x1024xf32>
    %slice3A_49 = vector.extract_strided_slice %concatenate3A_47 {offsets = [0, 1024], sizes = [19, 1], strides = [1, 1]} : vector<19x1152xf32> to vector<19x1xf32>
    %reduce_sum3A_50 = arith.constant dense<0.000000e+00> : vector<19xf32>
    %reduce_sum3A_51 = vector.multi_reduction <add>, %slice3A_48, %reduce_sum3A_50 [1] : vector<19x1024xf32> to vector<19xf32>
    %broadcast_in_dim3A_52 = vector.shape_cast %reduce_sum3A_51 : vector<19xf32> to vector<19x1xf32>
    %broadcast_in_dim3A_53 = arith.constant 0.000000e+00 : f32
    %broadcast_in_dim3A_54 = vector.broadcast %broadcast_in_dim3A_53 : f32 to vector<19x1xf32>
    %slice3A_55 = vector.extract_strided_slice %slice3A_48 {offsets = [0, 0], sizes = [19, 1023], strides = [1, 1]} : vector<19x1024xf32> to vector<19x1023xf32>
    %concatenate3A_56 = tpu.concatenate %broadcast_in_dim3A_54, %slice3A_55 in 1 : vector<19x1xf32>, vector<19x1023xf32> -> vector<19x1024xf32>
    %add3A = arith.addf %slice3A_48, %concatenate3A_56 : vector<19x1024xf32>
    %broadcast_in_dim3A_57 = arith.constant 0.000000e+00 : f32
    %broadcast_in_dim3A_58 = vector.broadcast %broadcast_in_dim3A_57 : f32 to vector<19x2xf32>
    %slice3A_59 = vector.extract_strided_slice %add3A {offsets = [0, 0], sizes = [19, 1022], strides = [1, 1]} : vector<19x1024xf32> to vector<19x1022xf32>
    %concatenate3A_60 = tpu.concatenate %broadcast_in_dim3A_58, %slice3A_59 in 1 : vector<19x2xf32>, vector<19x1022xf32> -> vector<19x1024xf32>
    %add3A_61 = arith.addf %add3A, %concatenate3A_60 : vector<19x1024xf32>
    %broadcast_in_dim3A_62 = arith.constant 0.000000e+00 : f32
    %broadcast_in_dim3A_63 = vector.broadcast %broadcast_in_dim3A_62 : f32 to vector<19x4xf32>
    %slice3A_64 = vector.extract_strided_slice %add3A_61 {offsets = [0, 0], sizes = [19, 1020], strides = [1, 1]} : vector<19x1024xf32> to vector<19x1020xf32>
    %concatenate3A_65 = tpu.concatenate %broadcast_in_dim3A_63, %slice3A_64 in 1 : vector<19x4xf32>, vector<19x1020xf32> -> vector<19x1024xf32>
    %add3A_66 = arith.addf %add3A_61, %concatenate3A_65 : vector<19x1024xf32>
    %broadcast_in_dim3A_67 = arith.constant 0.000000e+00 : f32
    %broadcast_in_dim3A_68 = vector.broadcast %broadcast_in_dim3A_67 : f32 to vector<19x8xf32>
    %slice3A_69 = vector.extract_strided_slice %add3A_66 {offsets = [0, 0], sizes = [19, 1016], strides = [1, 1]} : vector<19x1024xf32> to vector<19x1016xf32>
    %concatenate3A_70 = tpu.concatenate %broadcast_in_dim3A_68, %slice3A_69 in 1 : vector<19x8xf32>, vector<19x1016xf32> -> vector<19x1024xf32>
    %add3A_71 = arith.addf %add3A_66, %concatenate3A_70 : vector<19x1024xf32>
    %broadcast_in_dim3A_72 = arith.constant 0.000000e+00 : f32
    %broadcast_in_dim3A_73 = vector.broadcast %broadcast_in_dim3A_72 : f32 to vector<19x16xf32>
    %slice3A_74 = vector.extract_strided_slice %add3A_71 {offsets = [0, 0], sizes = [19, 1008], strides = [1, 1]} : vector<19x1024xf32> to vector<19x1008xf32>
    %concatenate3A_75 = tpu.concatenate %broadcast_in_dim3A_73, %slice3A_74 in 1 : vector<19x16xf32>, vector<19x1008xf32> -> vector<19x1024xf32>
    %add3A_76 = arith.addf %add3A_71, %concatenate3A_75 : vector<19x1024xf32>
    %broadcast_in_dim3A_77 = arith.constant 0.000000e+00 : f32
    %broadcast_in_dim3A_78 = vector.broadcast %broadcast_in_dim3A_77 : f32 to vector<19x32xf32>
    %slice3A_79 = vector.extract_strided_slice %add3A_76 {offsets = [0, 0], sizes = [19, 992], strides = [1, 1]} : vector<19x1024xf32> to vector<19x992xf32>
    %concatenate3A_80 = tpu.concatenate %broadcast_in_dim3A_78, %slice3A_79 in 1 : vector<19x32xf32>, vector<19x992xf32> -> vector<19x1024xf32>
    %add3A_81 = arith.addf %add3A_76, %concatenate3A_80 : vector<19x1024xf32>
    %broadcast_in_dim3A_82 = arith.constant 0.000000e+00 : f32
    %broadcast_in_dim3A_83 = vector.broadcast %broadcast_in_dim3A_82 : f32 to vector<19x64xf32>
    %slice3A_84 = vector.extract_strided_slice %add3A_81 {offsets = [0, 0], sizes = [19, 960], strides = [1, 1]} : vector<19x1024xf32> to vector<19x960xf32>
    %concatenate3A_85 = tpu.concatenate %broadcast_in_dim3A_83, %slice3A_84 in 1 : vector<19x64xf32>, vector<19x960xf32> -> vector<19x1024xf32>
    %add3A_86 = arith.addf %add3A_81, %concatenate3A_85 : vector<19x1024xf32>
    %broadcast_in_dim3A_87 = arith.constant 0.000000e+00 : f32
    %broadcast_in_dim3A_88 = vector.broadcast %broadcast_in_dim3A_87 : f32 to vector<19x128xf32>
    %slice3A_89 = vector.extract_strided_slice %add3A_86 {offsets = [0, 0], sizes = [19, 896], strides = [1, 1]} : vector<19x1024xf32> to vector<19x896xf32>
    %concatenate3A_90 = tpu.concatenate %broadcast_in_dim3A_88, %slice3A_89 in 1 : vector<19x128xf32>, vector<19x896xf32> -> vector<19x1024xf32>
    %add3A_91 = arith.addf %add3A_86, %concatenate3A_90 : vector<19x1024xf32>
    %broadcast_in_dim3A_92 = arith.constant 0.000000e+00 : f32
    %broadcast_in_dim3A_93 = vector.broadcast %broadcast_in_dim3A_92 : f32 to vector<19x256xf32>
    %slice3A_94 = vector.extract_strided_slice %add3A_91 {offsets = [0, 0], sizes = [19, 768], strides = [1, 1]} : vector<19x1024xf32> to vector<19x768xf32>
    %concatenate3A_95 = tpu.concatenate %broadcast_in_dim3A_93, %slice3A_94 in 1 : vector<19x256xf32>, vector<19x768xf32> -> vector<19x1024xf32>
    %add3A_96 = arith.addf %add3A_91, %concatenate3A_95 : vector<19x1024xf32>
    %broadcast_in_dim3A_97 = arith.constant 0.000000e+00 : f32
    %broadcast_in_dim3A_98 = vector.broadcast %broadcast_in_dim3A_97 : f32 to vector<19x512xf32>
    %slice3A_99 = vector.extract_strided_slice %add3A_96 {offsets = [0, 0], sizes = [19, 512], strides = [1, 1]} : vector<19x1024xf32> to vector<19x512xf32>
    %concatenate3A_100 = tpu.concatenate %broadcast_in_dim3A_98, %slice3A_99 in 1 : vector<19x512xf32>, vector<19x512xf32> -> vector<19x1024xf32>
    %add3A_101 = arith.addf %add3A_96, %concatenate3A_100 : vector<19x1024xf32>
    %sub3A = vector.broadcast %broadcast_in_dim3A_52 : vector<19x1xf32> to vector<19x1024xf32>
    %sub3A_102 = arith.subf %sub3A, %add3A_101 : vector<19x1024xf32>
    %mul3A = arith.constant 5.000000e-01 : f32
    %mul3A_103 = vector.broadcast %mul3A : f32 to vector<19x1024xf32>
    %mul3A_104 = arith.mulf %mul3A_103, %slice3A_48 : vector<19x1024xf32>
    %add3A_105 = arith.addf %sub3A_102, %mul3A_104 : vector<19x1024xf32>
    %slice3A_106 = vector.extract_strided_slice %concatenate3A {offsets = [0, 0], sizes = [19, 1024], strides = [1, 1]} : vector<19x1152xf32> to vector<19x1024xf32>
    %mul3A_107 = arith.mulf %slice3A_106, %add3A_105 : vector<19x1024xf32>
    %reduce_sum3A_108 = arith.constant dense<0.000000e+00> : vector<19xf32>
    %reduce_sum3A_109 = vector.multi_reduction <add>, %mul3A_107, %reduce_sum3A_108 [1] : vector<19x1024xf32> to vector<19xf32>
    %broadcast_in_dim3A_110 = vector.shape_cast %reduce_sum3A_109 : vector<19xf32> to vector<19x1xf32>
    %mul3A_111 = arith.constant 5.000000e-01 : f32
    %mul3A_112 = vector.broadcast %mul3A_111 : f32 to vector<19x1xf32>
    %mul3A_113 = arith.mulf %mul3A_112, %slice3A_49 : vector<19x1xf32>
    %add3A_114 = arith.addf %broadcast_in_dim3A_110, %mul3A_113 : vector<19x1xf32>
    %reduce_sum3A_115 = arith.constant dense<0.000000e+00> : vector<19xf32>
    %reduce_sum3A_116 = vector.multi_reduction <add>, %concatenate3A, %reduce_sum3A_115 [1] : vector<19x1152xf32> to vector<19xf32>
    %broadcast_in_dim3A_117 = vector.shape_cast %reduce_sum3A_116 : vector<19xf32> to vector<19x1xf32>
    %max3A = arith.constant 1.000000e+00 : f32
    %max3A_118 = vector.broadcast %max3A : f32 to vector<19x1xf32>
    %max3A_119 = arith.maximumf %broadcast_in_dim3A_52, %max3A_118 : vector<19x1xf32>
    %gt3A = arith.constant 0.000000e+00 : f32
    %gt3A_120 = vector.broadcast %gt3A : f32 to vector<19x1xf32>
    %gt3A_121 = arith.cmpf ogt, %broadcast_in_dim3A_52, %gt3A_120 : vector<19x1xf32>
    %div3A = arith.divf %add3A_114, %max3A_119 : vector<19x1xf32>
    %sub3A_122 = arith.subf %broadcast_in_dim3A_117, %div3A : vector<19x1xf32>
    %jit3A = arith.constant 0.000000e+00 : f32
    %broadcast_in_dim3A_123 = vector.broadcast %jit3A : f32 to vector<19x1xf32>
    %select_n3A = arith.select %gt3A_121, %sub3A_122, %broadcast_in_dim3A_123 : vector<19x1xi1>, vector<19x1xf32>
    %gt3A_124 = arith.constant 0.000000e+00 : f32
    %gt3A_125 = vector.broadcast %gt3A_124 : f32 to vector<19x1xf32>
    %gt3A_126 = arith.cmpf ogt, %broadcast_in_dim3A_52, %gt3A_125 : vector<19x1xf32>
    %convert_element_type3A = arith.extui %gt3A_126 : vector<19x1xi1> to vector<19x1xi32>
    %convert_element_type3A_127 = arith.sitofp %convert_element_type3A : vector<19x1xi32> to vector<19x1xf32>
    %reduce_sum3A_128 = vector.shape_cast %convert_element_type3A_127 : vector<19x1xf32> to vector<1x19x1xf32>
    %reduce_sum3A_129 = arith.constant dense<0.000000e+00> : vector<1xf32>
    %reduce_sum3A_130 = vector.multi_reduction <add>, %reduce_sum3A_128, %reduce_sum3A_129 [1, 2] : vector<1x19x1xf32> to vector<1xf32>
    %reduce_sum3A_131 = vector.shape_cast %reduce_sum3A_130 : vector<1xf32> to vector<1x1x1xf32>
    %reduce_sum3A_132 = vector.extract %reduce_sum3A_131[0, 0, 0] : f32 from vector<1x1x1xf32>
    %gt3A_133 = arith.constant 0.000000e+00 : f32
    %gt3A_134 = arith.cmpf ogt, %reduce_sum3A_132, %gt3A_133 : f32
    %mul3A_135 = arith.mulf %select_n3A, %convert_element_type3A_127 : vector<19x1xf32>
    %reduce_sum3A_136 = vector.shape_cast %mul3A_135 : vector<19x1xf32> to vector<1x19x1xf32>
    %reduce_sum3A_137 = arith.constant dense<0.000000e+00> : vector<1xf32>
    %reduce_sum3A_138 = vector.multi_reduction <add>, %reduce_sum3A_136, %reduce_sum3A_137 [1, 2] : vector<1x19x1xf32> to vector<1xf32>
    %reduce_sum3A_139 = vector.shape_cast %reduce_sum3A_138 : vector<1xf32> to vector<1x1x1xf32>
    %reduce_sum3A_140 = vector.extract %reduce_sum3A_139[0, 0, 0] : f32 from vector<1x1x1xf32>
    %max3A_141 = arith.constant 1.000000e+00 : f32
    %max3A_142 = arith.maximumf %reduce_sum3A_132, %max3A_141 : f32
    %div3A_143 = arith.divf %reduce_sum3A_140, %max3A_142 : f32
    %jit3A_144 = arith.constant 0.000000e+00 : f32
    %select_n3A_145 = arith.select %gt3A_134, %div3A_143, %jit3A_144 : f32
    %get3A_146 = arith.constant 0 : index
    %get3A_147 = arith.constant 0 : index
    %get3A_148 = vector.load %arg1[%get3A_146, %get3A_147] : memref<8x128xf32, #tpu.memory_space<vmem>>, vector<8x128xf32>
    %reduce_sum3A_149 = vector.shape_cast %get3A_148 : vector<8x128xf32> to vector<1x8x128xf32>
    %reduce_sum3A_150 = arith.constant dense<0.000000e+00> : vector<1xf32>
    %reduce_sum3A_151 = vector.multi_reduction <add>, %reduce_sum3A_149, %reduce_sum3A_150 [1, 2] : vector<1x8x128xf32> to vector<1xf32>
    %reduce_sum3A_152 = vector.shape_cast %reduce_sum3A_151 : vector<1xf32> to vector<1x1x1xf32>
    %reduce_sum3A_153 = vector.extract %reduce_sum3A_152[0, 0, 0] : f32 from vector<1x1x1xf32>
    %div3A_154 = arith.constant 1.024000e+03 : f32
    %div3A_155 = arith.divf %reduce_sum3A_153, %div3A_154 : f32
    %div3A_156 = arith.constant 5.898240e+05 : f32
    %div3A_157 = arith.divf %div3A_155, %div3A_156 : f32
    %mul3A_158 = arith.constant 5.000000e-01 : f32
    %mul3A_159 = arith.mulf %mul3A_158, %div3A_157 : f32
    %add3A_160 = arith.addf %select_n3A_145, %mul3A_159 : f32
    %swap3A = arith.constant 0 : index
    %swap3A_161 = arith.constant 0 : index
    %swap3A_162 = memref.load %arg2[%swap3A, %swap3A_161] : memref<1x1xf32, #tpu.memory_space<smem>>
    memref.store %add3A_160, %arg2[%swap3A, %swap3A_161] : memref<1x1xf32, #tpu.memory_space<smem>>
    return
  }
}

</mosaic_0001>

<sc_bundles>
// kernel: kernel.5.cloned.1.call-start
scs
__scs_entry_jumppad:
0x0: {  	(pc) =	sbr.rel $0x88, $3  }
0x1: {  	(tag) =	ssettag $0x0;
	lr =	simm.s32 $0x1  }
0x2: {  	[smem:$0x3F9D] =	sst lr;
	_ =	strace $0xD0000000  }
0x3: {  	_ = 	snop  }
0x4: {  	_ = 	snop  }
0x5: {  	_ = 	snop  }
0x6: {  	_ = 	snop  }
0x7: {  	_ = 	snop  }
__scs_overlays_trampoline_lowered:
0x8: {  	[smem:$0x3FAC] =	sst s0  }
0x9: {  	[smem:$0x3FAD] =	sst s1  }
0xa: {  	[smem:$0x3FAE] =	sst s2  }
0xb: {  	[smem:$0x3FAF] =	sst s3  }
0xc: {  	[smem:$0x3FB0] =	sst s4  }
0xd: {  	[smem:$0x3FB1] =	sst s5  }
0xe: {  	[smem:$0x3FB2] =	sst s6  }
0xf: {  	[smem:$0x3FB3] =	sst s7  }
0x10: {  	[smem:$0x3FB4] =	sst s8  }
0x11: {  	[smem:$0x3FB5] =	sst s9;
	s0 =	simm.s32 @!p0 $0x0  }
0x12: {  	s1 =	sld [smem:$0x3F9B];
	s0 =	simm.s32 @p0 $0x1  }
0x13: {  	[smem:$0x3FB6] =	sst s0;
	s0 =	simm.s32 @!p1 $0x0  }
0x14: {  	s2 =	sld [smem:$0x3F9A];
	s0 =	simm.s32 @p1 $0x1  }
0x15: {  	[smem:$0x3FB7] =	sst s0;
	s0 =	simm.s32 @!p2 $0x0  }
0x16: {  	s3 =	sld [smem:$0x3FDB];
	s0 =	simm.s32 @p2 $0x1  }
0x17: {  	s4 =	simm.s32 $0x1BF5;
	[smem:$0x3FB9] =	sst s0  }
0x18: {  	s0 =	sld [smem:$0x3F9C];
	_ =	swait.ge [sflag:s4], $0x0  }
0x19: {  	s7 =	sld [smem:$0x3F9D]  }
0x1a: {  	s8 =	sadd.s32 $0xFFFFE003, lr  }
0x1b: {  	s9 =	sadd.s32 $0xFFFFFEF7, lr;
	s5 =	simm.s32 $0xFFFFFFFF;
	p2 =	slt.u32 s8, $0xFFFFF086  }
0x1c: {  	p1 =	slt.u32 s9, $0xF7A;
	s5 =	simm.s32 @!p2 $0x0  }
0x1d: {  	s5 =	simm.s32 @p1 $0x1;
	p0 =	seq.s32 s7, s2  }
0x1e: {  	s7 =	smul.u32 @!p0 $0xF7A, s2;
	p2 =	seq.s32 @!p0 s5, $0x0  }
0x1f: {  	s9 =	smul.u32 $0xF7A, s1;
	s8 =	simm.s32 @!p0 $0x1BF5;
	p2 =	por !p2, p0  }
0x20: {  	[sflag:s8] =	ssyncset.s32 @!p0 $0xFFFFF086;
	s6 =	sadd.s32 @!p0 s3, s7;
	s7 =	simm.s32 @!p0 $0x108  }
0x21: {  	s3 =	sadd.s32 s3, s9;
	s6 =	sadd.s32 @!p0 $0x88, s6;
	s7 =	simm.s32 @p2 $0x1082  }
0x22: {  	[simem:s7], [sflag:s8] =	dma.local @!p0 [hbm:s6], $0xF7A  }
0x23: {  	s9 =	sor.u32 $0xD0000000, s2;
	s6 =	simm.s32 $0x108;
	_ =	swait.ge @!p0 [sflag:s8], $0x0  }
0x24: {  	s3 =	sadd.s32 $0x88, s3;
	s6 =	simm.s32 @!p1 $0x1082;
	[sflag:s4] =	ssyncset.s32 $0xFFFFF086  }
0x25: {  	[simem:s6], [sflag:s4] =	dma.local [hbm:s3], $0xF7A  }
0x26: {  	[smem:$0x3F9D] =	sst s1;
	(tag) =	ssettag s2;
	_ =	strace s9  }
0x27: {  	s1 =	sld [smem:$0x3FAD]  }
0x28: {  	s2 =	sld [smem:$0x3FAE]  }
0x29: {  	s4 =	sld [smem:$0x3FB0]  }
0x2a: {  	p0 =	seq.s32 s5, $0x0;
	s5 =	sld [smem:$0x3FB1]  }
0x2b: {  	s6 =	sld [smem:$0x3FB2]  }
0x2c: {  	s7 =	sld [smem:$0x3FB3]  }
0x2d: {  	s3 =	simm.s32 $0x108;
	s8 =	sld [smem:$0x3FB4]  }
0x2e: {  	s3 =	simm.s32 @!p0 $0x1082;
	s9 =	sld [smem:$0x3FB5]  }
0x2f: {  	lr =	sadd.s32 s0, s3;
	s0 =	sld [smem:$0x3FAC]  }
0x30: {  	s3 =	sld [smem:$0x3FAF]  }
0x31: {  	[smem:$0x3FB8] =	sst s10  }
0x32: {  	s10 =	sld [smem:$0x3FB6];
	_ =	sdelay $0x3  }
0x33: {  	p0 =	seq.s32 s10, $0x1;
	s10 =	sld [smem:$0x3FB8];
	_ =	sdelay $0x3  }
0x34: {  	[smem:$0x3FB8] =	sst s10  }
0x35: {  	s10 =	sld [smem:$0x3FB7];
	_ =	sdelay $0x3  }
0x36: {  	p1 =	seq.s32 s10, $0x1;
	s10 =	sld [smem:$0x3FB8];
	_ =	sdelay $0x3  }
0x37: {  	[smem:$0x3FB8] =	sst s10  }
0x38: {  	s10 =	sld [smem:$0x3FB9]  }
0x39: {  	_ = 	snop;
	(pc) =	sbr.ind lr, $3  }
0x3a: {  	_ = 	snop  }
0x3b: {  	_ = 	snop  }
0x3c: {  	p2 =	seq.s32 s10, $0x1;
	s10 =	sld [smem:$0x3FB8]  }
0x3d: {  	_ =	shalt  }
0x3e: {  	_ =	shalt  }
0x3f: {  	_ =	shalt  }
0x40: {  	_ =	shalt  }
0x41: {  	_ =	shalt  }
0x42: {  	_ =	shalt  }
0x43: {  	_ =	shalt  }
0x44: {  	_ =	shalt  }
0x45: {  	_ =	shalt  }
0x46: {  	_ =	shalt  }
0x47: {  	_ =	shalt  }
0x48: {  	_ =	shalt  }
0x49: {  	_ =	shalt  }
0x4a: {  	_ =	shalt  }
0x4b: {  	_ =	shalt  }
0x4c: {  	_ =	shalt  }
0x4d: {  	_ =	shalt  }
0x4e: {  	_ =	shalt  }
0x4f: {  	_ =	shalt  }
0x50: {  	_ =	shalt  }
0x51: {  	_ =	shalt  }
0x52: {  	_ =	shalt  }
0x53: {  	_ =	shalt  }
0x54: {  	_ =	shalt  }
0x55: {  	_ =	shalt  }
0x56: {  	_ =	shalt  }
0x57: {  	_ =	shalt  }
0x58: {  	_ =	shalt  }
0x59: {  	_ =	shalt  }
0x5a: {  	_ =	shalt  }
0x5b: {  	_ =	shalt  }
0x5c: {  	_ =	shalt  }
0x5d: {  	_ =	shalt  }
0x5e: {  	_ =	shalt  }
0x5f: {  	_ =	shalt  }
0x60: {  	_ =	shalt  }
0x61: {  	_ =	shalt  }
0x62: {  	_ =	shalt  }
0x63: {  	_ =	shalt  }
0x64: {  	_ =	shalt  }
0x65: {  	_ =	shalt  }
0x66: {  	_ =	shalt  }
0x67: {  	_ =	shalt  }
0x68: {  	_ =	shalt  }
0x69: {  	_ =	shalt  }
0x6a: {  	_ =	shalt  }
0x6b: {  	_ =	shalt  }
0x6c: {  	_ =	shalt  }
0x6d: {  	_ =	shalt  }
0x6e: {  	_ =	shalt  }
0x6f: {  	_ =	shalt  }
0x70: {  	_ =	shalt  }
0x71: {  	_ =	shalt  }
0x72: {  	_ =	shalt  }
0x73: {  	_ =	shalt  }
0x74: {  	_ =	shalt  }
0x75: {  	_ =	shalt  }
0x76: {  	_ =	shalt  }
0x77: {  	_ =	shalt  }
0x78: {  	_ =	shalt  }
0x79: {  	_ =	shalt  }
0x7a: {  	_ =	shalt  }
0x7b: {  	_ =	shalt  }
0x7c: {  	_ =	shalt  }
0x7d: {  	_ =	shalt  }
0x7e: {  	_ =	shalt  }
0x7f: {  	_ =	shalt  }
0x80: {  	_ =	shalt  }
0x81: {  	_ =	shalt  }
0x82: {  	_ =	shalt  }
0x83: {  	_ =	shalt  }
0x84: {  	_ =	shalt  }
0x85: {  	_ =	shalt  }
0x86: {  	_ =	shalt  }
0x87: {  	_ =	shalt  }
.Lfunc_end0:
.L_simem_size_0:
called_computation_lowered:
.L_overlay_start_0:
0x88: {  	s2 =	sld [smem:$0x3FD9]  }
0x89: {  	s3 =	sld [smem:$0x3FFE];
	_ =	sdelay $0x1  }
0x8a: {  	s1 =	srdreg.scid  }
0x8b: {  	s0 =	sand.u32 $0x1, s1  }
0x8c: {  	s16 =	sshll.u32 s0, $0xA;
	s2 =	sadd.s32 s3, s2  }
0x8d: {  	s2 =	sadd.s32 s2, s16  }
0x8e: {  	[smem:$0x3FC4] =	sst s2  }
0x8f: {  	_ = 	snop  }
0x90: {  	(tm) =	ssettm $0x1  }
0x91: {  	s17 =	sld [smem:$0x3FFB];
	_ =	sdelay $0x3  }
0x92: {  	_ =	strace s17  }
0x93: {  	s2 =	sld [smem:$0x3FFC];
	_ =	sdelay $0x3  }
0x94: {  	_ =	strace s2  }
0x95: {  	s2 =	sld [smem:$0x3FFD];
	_ =	sdelay $0x3  }
0x96: {  	_ =	strace s2  }
0x97: {  	_ =	strace $0x8FFFFFFF  }
0x98: {  	s18 =	sld [smem:$0x3FDB];
	_ =	sdelay $0x1  }
0x99: {  	s19 =	simm.s32 $_scs_section_size  }
0x9a: {  	s4 =	simm.s32 $_size__tile_overlayer_lowered;
	s5 =	simm.s32 $_tile_overlayer_lowered  }
0x9b: {  	s22 =	simm.s32 $0x1BFF;
	s21 =	sshll.u32 s5, $0x1;
	s2 =	sadd.s32 s19, s18  }
0x9c: {  	s6 =	simm.s32 $0x0;
	s20 =	sshll.u32 s4, $0x1;
	s4 =	sadd.s32 s21, s2  }
0x9d: {  	[timem:s6], [sflag:s22] =	dma.local [hbm:s4], s20  }
0x9e: {  	_ =	swait.ge [sflag:s22], s20  }
0x9f: {  	s3 =	ssub.s32 $0x0, s20;
	[sflag:s22] =	ssyncset.done $0x0  }
0xa0: {  	[sflag:s22] =	ssyncadd.s32 s3;
	_ =	sdelay $0x1  }
0xa1: {  	s23 =	simm.s32 $0x1B8B  }
0xa2: {  	_ =	swait.ge [sflag:s23], $0x1  }
0xa3: {  	[sflag:s23] =	ssyncset.done $0x0  }
0xa4: {  	s25 =	simm.s32 $0x1B8E;
	s24 =	sld [smem:$0x3FFE];
	[sflag:s23] =	ssyncadd.s32 $0xFFFFFFFF  }
0xa5: {  	s26 =	simm.s32 $execute0_lowered;
	[smem:$0x3FD2] =	sst s25  }
0xa6: {  	s4 =	sshll.u32 s26, $0x1;
	_ =	strace $0x80000046;
	[dreg:$0x1] =	wrdreg $0xFFFFFFFF  }
0xa7: {  	s28 =	simm.s32 $_size_execute0_lowered;
	s2 =	sadd.s32 s2, s4;
	[dreg:$0x0] =	wrdreg $0x0  }
0xa8: {  	s4 =	sshll.u32 s28, $0x1;
	[dreg:$0x2] =	wrdreg s2  }
0xa9: {  	[dreg:$0x3] =	wrdreg s4  }
0xaa: {  	[dreg:$0x4] =	wrdreg $0xC0  }
0xab: {  	_ =	task [dreg:s6], $0x5FFFF  }
0xac: {  	[dreg:$0x1] =	wrdreg $0xFFFFFFFF  }
0xad: {  	[dreg:$0x0] =	wrdreg $0x60  }
0xae: {  	[dreg:$0x2] =	wrdreg s24  }
0xaf: {  	[dreg:$0x3] =	wrdreg $0x9  }
0xb0: {  	_ =	task.clear_ibuf [dreg:s6], $0x4FFFF;
	_ =	strace $0x90000046  }
0xb1: {  	s29 =	simm.s32 $0x9;
	_ =	strace $0x80000048  }
0xb2: {  	_ =	swait.ge [sflag:s29], $0x1  }
0xb3: {  	[sflag:s29] =	ssyncadd.s32 $0xFFFFFFFF  }
0xb4: {  	_ =	strace $0x90000048  }
0xb5: {  	_ =	sfence  }
0xb6: {  	s30 =	sld [smem:$0x0];
	_ =	sdelay $0x2  }
0xb7: {  	s31 =	sshll.u32 s1, $0xD;
	s1 =	sshrl.u32 s1, $0x2  }
0xb8: {  	s3 =	sand.u32 $0x4000, s31;
	s1 =	sadd.s32 s1, s30  }
0xb9: {  	s0 =	sor.u32 s3, s0;
	s1 =	sshll.u32 s1, $0x11  }
0xba: {  	s0 =	sor.u32 s1, s0  }
0xbb: {  	s0 =	sadd.s32 $0x8F2B, s0  }
0xbc: {  	[sflag:s0] =	ssyncadd.remote.s32 $0x1  }
0xbd: {  	_ =	sfence.sel $0xFFFF  }
0xbe: {  	[dreg:$0x0] =	wrdreg $0xFFFFFFFF;
	(pc) =	sbr.abs _section_cstart, $3  }
0xbf: {  	[dreg:$0x1] =	wrdreg $0xFFFFFFFF  }
0xc0: {  	_ =	task.clear_ibuf [dreg:s6], $0x2FFFF;
	_ =	strace $0x9FFFFFFF  }
0xc1: {  	(tm) =	ssettm $0x7FFFFFFF  }
tec
execute0_lowered:
.L_overlay_start_1:
0x0: {  	(tag) =	ssettag $0x1  }
0x1: {  	s6 =	rddreg [dreg:$0x0]  }
0x2: {  	s0 =	rddreg [dreg:$0x1];
	s2 =	simm.s32 $0x0  }
0x3: {  	s3 =	srdreg.scid;
	s1 =	stileid.u32;
	s16 =	simm.s32 $0xAB00  }
0x4: {  	s17 =	simm.s32 $0x10080;
	s18 =	simm.s32 $0x1;
	s19 =	simm.s32 $0x2  }
0x5: {  	s20 =	simm.s32 $0x15600;
	s21 =	simm.s32 $0x80;
	s22 =	simm.s32 $0x400  }
0x6: {  	s23 =	simm.s32 $0x0;
	[smem:$0x7FF] =	sst s2;
	s7 =	sand.u32 $0x1, s3  }
0x7: {  	s5 =	sshll.u32 s1, $0x1;
	s3 =	sadd.s32 $0x1000, s6;
	s4 =	sadd.s32 $0x157000, s6  }
0x8: {  	s12 =	sadd.s32 $0x169C00, s6;
	s8 =	sshrl.u32 s1, $0x2;
	_ =	strace $0x80000047  }
0x9: {  	s10 =	sor.u32 s7, s5;
	s7 =	ssub.s32 $0x2, s7;
	s13 =	smul.u32 $0x2AC00, s8  }
0xa: {  	s5 =	sadd.s32 $0x169000, s6;
	s9 =	smul.u32 $0x55800, s10;
	s28 =	sshrl.u32 s7, $0x1  }
0xb: {  	s29 =	sshll.u32 s10, $0x7;
	s10 =	smul.u32 $0x4800, s10;
	s14 =	ssub.s32 s7, s28  }
0xc: {  	s30 =	sand.u32 $0x380, s29;
	s11 =	sshrl.u32 s9, $0x3;
	s8 =	sadd.s32 $0xAB00, s9  }
0xd: {  	s9 =	sadd.s32 $0x10080, s9;
	s6 =	sadd.s32 s3, s11;
	s11 =	sor.u32 s13, s30  }
0xe: {  	s7 =	sadd.s32 $0xAB0, s6;
	s13 =	sshrl.u32 s11, $0x3;
	s15 =	sadd.s32 $0xAB000, s11  }
0xf: {  	v0 =	vlaneseq.u32;
	s11 =	sadd.s32 s12, s13;
	s31 =	sshrl.u32 s15, $0x3;
	s13 =	smax.u32 s14, $0x1  }
0x10: {  	v1 =	vimm.f32 $1.000000000e+00;
	v0 =	vmul.u32 $0x480, v0;
	s14 =	simm.s32 $0x3;
	s15 =	simm.s32 $0x5580;
	s12 =	sadd.s32 s12, s31  }
.LBB2_1:
0x11: {  	[tilespmem:s2], [sflag:$0x3] =	stream.linear.gather [hbm4b:s5+s2], $0x5580, $0x38;
	[tilespmem:$0x17A00] =	vst v63  }
0x12: {  	_ =	swait.ge [sflag:s14], $0x5580  }
0x13: {  	[sflag:s14] =	ssyncset.done $0x0  }
0x14: {  	[sflag:s14] =	ssyncadd.s32 $0xFFFFAA80  }
0x15: {  	[tilespmem:s15], [sflag:$0x3] =	stream.linear.gather [hbm4b:s5+s2], $0x5580, $0x38;
	[tilespmem:$0x17A00] =	vst v63  }
0x16: {  	_ =	swait.ge [sflag:s14], $0x5580  }
0x17: {  	[sflag:s14] =	ssyncset.done $0x0  }
0x18: {  	[sflag:s14] =	ssyncadd.s32 $0xFFFFAA80  }
0x19: {  	[tilespmem:s16], [sflag:$0x1] =	stream.linear.gather [hbm4b:s6+s2], $0x5580, $0x38;
	[tilespmem:$0x17A00] =	vst v63  }
0x1a: {  	s24 =	simm.s32 $0x0  }
0x1b: {  	[tilespmem:s17], [sflag:$0x2] =	stream.linear.gather [hbm4b:s7+s2], $0x5580, $0x38;
	[tilespmem:$0x17A00] =	vst v63  }
.LBB2_2:
0x1c: {  	_ =	swait.ge [sflag:s18], $0x5580  }
0x1d: {  	[sflag:s18] =	ssyncset.done $0x0  }
0x1e: {  	s25 =	simm.s32 $0xAB40;
	[sflag:s18] =	ssyncadd.s32 $0xFFFFAA80  }
0x1f: {  	v4 =	vld [tilespmem:s25+$0xFFFFFFC0]  }
0x20: {  	v6 =	vld [tilespmem:s25+$0xFFFFFFD0];
	_ =	sdelay $0x2  }
0x21: {  	v14 =	vld [tilespmem:s25+$0xFFFFFFE0]  }
0x22: {  	v7 =	vld [tilespmem:s25+$0xFFFFFFF0];
	v2 =	vmul.f32 $1.024000000e+03, v4  }
0x23: {  	v3 =	vmul.f32 $1.024000000e+03, v6  }
0x24: {  	v8 =	vadd.s32 $0x4800, v0;
	v2 =	vtrunc.f32 v2  }
0x25: {  	v9 =	vadd.s32 $0xFFFFF280, v0;
	v3 =	vtrunc.f32 v3;
	v2 =	vcvt.f32.s32 v2  }
0x26: {  	vm0 =	vgt.s32 v8, $0x557F;
	v5 =	vmul.f32 $1.024000000e+03, v14;
	v3 =	vcvt.f32.s32 v3  }
0x27: {  	v10 =	vmul.f32 $1.024000000e+03, v7;
	v11 =	vadd.s32 v2, v0;
	v2 =	vsel vm0, v9, v8;
	v8 =	vld [tilespmem:s25+$0x0]  }
0x28: {  	v5 =	vtrunc.f32 v5;
	v9 =	vld [tilespmem:s25+$0x10];
	v12 =	vadd.s32 v3, v2;
	v3 =	vadd.s32 $0x4800, v2  }
0x29: {  	v5 =	vcvt.f32.s32 v5;
	v13 =	vadd.s32 $0xFFFFF280, v2;
	vm0 =	vgt.s32 v3, $0x557F  }
0x2a: {  	v3 =	vsel vm0, v13, v3;
	v13 =	vtrunc.f32 v10  }
0x2b: {  	v10 =	vld [tilespmem:s25+$0x20];
	v15 =	vadd.s32 v5, v3;
	v5 =	vadd.s32 $0x4800, v3;
	v16 =	vadd.s32 $0xFFFFF280, v3  }
0x2c: {  	v17 =	vcvt.f32.s32 v13;
	vm0 =	vgt.s32 v5, $0x557F;
	[tilespmem:v11+s2+$0x0] =	vst.idx.add.f32.msk $0xffff, v4;
	v11 =	vmul.f32 $1.024000000e+03, v8  }
0x2d: {  	v13 =	vmul.f32 $1.024000000e+03, v9;
	v5 =	vsel vm0, v16, v5;
	[tilespmem:v12+s2+$0x0] =	vst.idx.add.f32.msk $0xffff, v6  }
0x2e: {  	v12 =	vadd.s32 v17, v5;
	v4 =	vadd.s32 $0x4800, v5;
	v16 =	vtrunc.f32 v11;
	v11 =	vld [tilespmem:s25+$0x30]  }
0x2f: {  	v6 =	vadd.s32 $0xFFFFF280, v5;
	vm0 =	vgt.s32 v4, $0x557F;
	v16 =	vcvt.f32.s32 v16  }
0x30: {  	s26 =	simm.s32 $0xABC0;
	s25 =	simm.s32 $0x0;
	[tilespmem:v15+s2+$0x0] =	vst.idx.add.f32.msk $0xffff, v14;
	v15 =	vsel vm0, v6, v4;
	v14 =	vmul.f32 $1.024000000e+03, v10  }
.LBB2_3:
0x31: {  	v17 =	vld [tilespmem:s26+$0xFFFFFFC0];
	v16 =	vadd.s32 v16, v15;
	v18 =	vadd.s32 $0x4800, v15;
	v13 =	vtrunc.f32 v13  }
0x32: {  	v15 =	vadd.s32 $0xFFFFF280, v15;
	vm1 =	vgt.s32 v18, $0x557F;
	v13 =	vcvt.f32.s32 v13  }
0x33: {  	[tilespmem:v12+s2+$0x0] =	vst.idx.add.f32.msk $0xffff, v7;
	v7 =	vsel vm1, v15, v18;
	v12 =	vmul.f32 $1.024000000e+03, v11  }
0x34: {  	v14 =	vtrunc.f32 v14;
	v15 =	vld [tilespmem:s26+$0xFFFFFFD0];
	v13 =	vadd.s32 v13, v7;
	v18 =	vadd.s32 $0x4800, v7  }
0x35: {  	v14 =	vcvt.f32.s32 v14;
	v7 =	vadd.s32 $0xFFFFF280, v7;
	vm1 =	vgt.s32 v18, $0x557F  }
0x36: {  	v19 =	vmul.f32 $1.024000000e+03, v17;
	[tilespmem:v16+s2+$0x0] =	vst.idx.add.f32.msk $0xffff, v8;
	v7 =	vsel vm1, v7, v18  }
0x37: {  	v12 =	vtrunc.f32 v12;
	v18 =	vld [tilespmem:s26+$0xFFFFFFE0];
	v8 =	vadd.s32 v14, v7;
	v14 =	vadd.s32 $0x4800, v7  }
0x38: {  	v12 =	vcvt.f32.s32 v12;
	v7 =	vadd.s32 $0xFFFFF280, v7;
	vm1 =	vgt.s32 v14, $0x557F  }
0x39: {  	v16 =	vmul.f32 $1.024000000e+03, v15;
	[tilespmem:v13+s2+$0x0] =	vst.idx.add.f32.msk $0xffff, v9;
	v9 =	vsel vm1, v7, v14  }
0x3a: {  	s25 =	sadd.s32 $0x8, s25;
	v13 =	vtrunc.f32 v19;
	v7 =	vld [tilespmem:s26+$0xFFFFFFF0];
	v12 =	vadd.s32 v12, v9;
	v14 =	vadd.s32 $0x4800, v9  }
0x3b: {  	p0 =	slt.u32 s25, $0x550;
	v13 =	vcvt.f32.s32 v13;
	v9 =	vadd.s32 $0xFFFFF280, v9;
	vm1 =	vgt.s32 v14, $0x557F  }
0x3c: {  	v19 =	vmul.f32 $1.024000000e+03, v18;
	[tilespmem:v8+s2+$0x0] =	vst.idx.add.f32.msk $0xffff, v10;
	v9 =	vsel vm1, v9, v14  }
0x3d: {  	v14 =	vtrunc.f32 v16;
	v10 =	vadd.s32 v13, v9;
	v13 =	vadd.s32 $0x4800, v9;
	v8 =	vld [tilespmem:s26+$0x0]  }
0x3e: {  	v9 =	vadd.s32 $0xFFFFF280, v9;
	v14 =	vcvt.f32.s32 v14;
	vm1 =	vgt.s32 v13, $0x557F  }
0x3f: {  	v13 =	vsel vm1, v9, v13;
	v16 =	vmul.f32 $1.024000000e+03, v7;
	[tilespmem:v12+s2+$0x0] =	vst.idx.add.f32.msk $0xffff, v11  }
0x40: {  	v11 =	vadd.s32 v14, v13;
	v12 =	vadd.s32 $0x4800, v13;
	v14 =	vtrunc.f32 v19;
	v9 =	vld [tilespmem:s26+$0x10]  }
0x41: {  	v13 =	vadd.s32 $0xFFFFF280, v13;
	vm1 =	vgt.s32 v12, $0x557F;
	v14 =	vcvt.f32.s32 v14  }
0x42: {  	[tilespmem:v10+s2+$0x0] =	vst.idx.add.f32.msk $0xffff, v17;
	v12 =	vsel vm1, v13, v12;
	v17 =	vmul.f32 $1.024000000e+03, v8  }
0x43: {  	v16 =	vtrunc.f32 v16;
	v14 =	vadd.s32 v14, v12;
	v13 =	vadd.s32 $0x4800, v12;
	v10 =	vld [tilespmem:s26+$0x20]  }
.Ltmp0:
0x44: {  	v16 =	vcvt.f32.s32 v16;
	v12 =	vadd.s32 $0xFFFFF280, v12;
	vm1 =	vgt.s32 v13, $0x557F;
	(pc) =	sbr.rel @p0 .LBB2_3-.Ltmp0, $4  }
0x45: {  	[tilespmem:v11+s2+$0x0] =	vst.idx.add.f32.msk $0xffff, v15;
	v15 =	vsel vm1, v12, v13;
	v13 =	vmul.f32 $1.024000000e+03, v9  }
0x46: {  	v12 =	vadd.s32 v16, v15;
	v19 =	vadd.s32 $0x4800, v15;
	v16 =	vtrunc.f32 v17;
	v11 =	vld [tilespmem:s26+$0x30]  }
0x47: {  	v15 =	vadd.s32 $0xFFFFF280, v15;
	vm1 =	vgt.s32 v19, $0x557F;
	v16 =	vcvt.f32.s32 v16  }
0x48: {  	s26 =	sadd.s32 $0x80, s26;
	[tilespmem:v14+s2+$0x0] =	vst.idx.add.f32.msk $0xffff, v18;
	v15 =	vsel vm1, v15, v19;
	v14 =	vmul.f32 $1.024000000e+03, v10  }
0x49: {  	v17 =	vadd.s32 $0x4800, v15  }
0x4a: {  	v18 =	vadd.s32 $0xFFFFF280, v15;
	vm1 =	vgt.s32 v17, $0x557F  }
0x4b: {  	v13 =	vtrunc.f32 v13;
	v17 =	vsel vm1, v18, v17  }
0x4c: {  	v13 =	vcvt.f32.s32 v13;
	v14 =	vtrunc.f32 v14;
	v52 =	vadd.s32 $0x4800, v17  }
0x4d: {  	v53 =	vmul.f32 $1.024000000e+03, v11;
	v19 =	vadd.s32 $0xFFFFF280, v17;
	vm14 =	vgt.s32 v52, $0x557F  }
0x4e: {  	v51 =	vadd.s32 v16, v15;
	v14 =	vcvt.f32.s32 v14;
	v16 =	vsel vm14, v19, v52  }
0x4f: {  	v13 =	vadd.s32 v13, v17;
	v18 =	vtrunc.f32 v53;
	v54 =	vadd.s32 $0x4800, v16  }
0x50: {  	v18 =	vcvt.f32.s32 v18;
	v19 =	vadd.s32 $0xFFFFF280, v16;
	vm15 =	vgt.s32 v54, $0x557F  }
0x51: {  	v14 =	vadd.s32 v14, v16;
	v55 =	vsel vm15, v19, v54  }
0x52: {  	p0 =	seq.s32 s24, $0x7;
	v16 =	vadd.s32 v18, v55  }
0x53: {  	[tilespmem:v12+s2+$0x0] =	vst.idx.add.f32.msk $0xffff, v7;
	s25 =	smul.u32 @!p0 $0xAB00, s24  }
0x54: {  	[tilespmem:v51+s2+$0x0] =	vst.idx.add.f32.msk $0xffff, v8  }
0x55: {  	s25 =	sadd.s32 @!p0 s25, s8;
	[tilespmem:v13+s2+$0x0] =	vst.idx.add.f32.msk $0xffff, v9  }
0x56: {  	s25 =	sshrl.u32 @!p0 s25, $0x3;
	[tilespmem:v14+s2+$0x0] =	vst.idx.add.f32.msk $0xffff, v10  }
0x57: {  	s26 =	simm.s32 @!p0 $0x0;
	s28 =	simm.s32 @!p0 $0xAB00;
	s25 =	sadd.s32 @!p0 s3, s25;
	[tilespmem:v16+s2+$0x0] =	vst.idx.add.f32.msk $0xffff, v11  }
0x58: {  	[tilespmem:s28], [sflag:$0x1] =	stream.linear.gather @!p0 [hbm4b:s25+s26], $0x5580, $0x38;
	[tilespmem:$0x17A00] =	vst v63  }
0x59: {  	_ =	swait.ge [sflag:s19], $0x5580  }
0x5a: {  	[sflag:s19] =	ssyncset.done $0x0  }
0x5b: {  	s31 =	simm.s32 $0x100C0;
	[sflag:s19] =	ssyncadd.s32 $0xFFFFAA80  }
0x5c: {  	v10 =	vld [tilespmem:s31+$0xFFFFFFC0]  }
0x5d: {  	v11 =	vld [tilespmem:s31+$0xFFFFFFD0];
	_ =	sdelay $0x1  }
0x5e: {  	v56 =	vld [tilespmem:s31+$0xFFFFFFE0];
	_ =	sdelay $0x1  }
0x5f: {  	v7 =	vmul.f32 $1.024000000e+03, v10  }
0x60: {  	v8 =	vmul.f32 $1.024000000e+03, v11  }
0x61: {  	v9 =	vtrunc.f32 v7;
	v7 =	vld [tilespmem:s31+$0xFFFFFFF0]  }
0x62: {  	v57 =	vmul.f32 $1.024000000e+03, v56;
	v8 =	vtrunc.f32 v8  }
0x63: {  	v9 =	vcvt.f32.s32 v9;
	v58 =	vcvt.f32.s32 v8  }
0x64: {  	v8 =	vld [tilespmem:s31+$0x0]  }
0x65: {  	v59 =	vadd.s32 v9, v0;
	v9 =	vtrunc.f32 v57;
	v60 =	vadd.s32 v58, v2  }
0x66: {  	v2 =	vcvt.f32.s32 v9;
	v61 =	vmul.f32 $1.024000000e+03, v7  }
0x67: {  	v9 =	vld [tilespmem:s31+$0x10]  }
0x68: {  	v62 =	vadd.s32 v2, v3;
	v2 =	vld [tilespmem:s31+$0x20];
	v3 =	vtrunc.f32 v61  }
0x69: {  	v63 =	vmul.f32 $1.024000000e+03, v8;
	v3 =	vcvt.f32.s32 v3  }
0x6a: {  	[tilespmem:v60+s2+$0x0] =	vst.idx.add.f32.msk $0xffff, v11  }
0x6b: {  	v11 =	vtrunc.f32 v63;
	v5 =	vadd.s32 v3, v5;
	v3 =	vld [tilespmem:s31+$0x30]  }
0x6c: {  	[tilespmem:v59+s2+$0x0] =	vst.idx.add.f32.msk $0xffff, v10;
	v10 =	vmul.f32 $1.024000000e+03, v9;
	v11 =	vcvt.f32.s32 v11  }
0x6d: {  	v6 =	vsel vm0, v6, v4;
	s25 =	simm.s32 $0x0;
	s26 =	simm.s32 $0x10140;
	[tilespmem:v62+s2+$0x0] =	vst.idx.add.f32.msk $0xffff, v56;
	v4 =	vmul.f32 $1.024000000e+03, v2  }
.LBB2_5:
0x6e: {  	v12 =	vld [tilespmem:s26+$0xFFFFFFC0];
	v11 =	vadd.s32 v11, v6;
	v13 =	vadd.s32 $0x4800, v6;
	v10 =	vtrunc.f32 v10  }
0x6f: {  	v6 =	vadd.s32 $0xFFFFF280, v6;
	vm0 =	vgt.s32 v13, $0x557F;
	v10 =	vcvt.f32.s32 v10  }
0x70: {  	[tilespmem:v5+s2+$0x0] =	vst.idx.add.f32.msk $0xffff, v7;
	v5 =	vsel vm0, v6, v13;
	v6 =	vmul.f32 $1.024000000e+03, v3  }
0x71: {  	v4 =	vtrunc.f32 v4;
	v13 =	vld [tilespmem:s26+$0xFFFFFFD0];
	v7 =	vadd.s32 v10, v5;
	v10 =	vadd.s32 $0x4800, v5  }
0x72: {  	v4 =	vcvt.f32.s32 v4;
	v5 =	vadd.s32 $0xFFFFF280, v5;
	vm0 =	vgt.s32 v10, $0x557F  }
0x73: {  	v14 =	vmul.f32 $1.024000000e+03, v12;
	[tilespmem:v11+s2+$0x0] =	vst.idx.add.f32.msk $0xffff, v8;
	v5 =	vsel vm0, v5, v10  }
0x74: {  	v6 =	vtrunc.f32 v6;
	v15 =	vld [tilespmem:s26+$0xFFFFFFE0];
	v4 =	vadd.s32 v4, v5;
	v8 =	vadd.s32 $0x4800, v5  }
0x75: {  	v6 =	vcvt.f32.s32 v6;
	v5 =	vadd.s32 $0xFFFFF280, v5;
	vm0 =	vgt.s32 v8, $0x557F  }
0x76: {  	v10 =	vmul.f32 $1.024000000e+03, v13;
	[tilespmem:v7+s2+$0x0] =	vst.idx.add.f32.msk $0xffff, v9;
	v5 =	vsel vm0, v5, v8  }
0x77: {  	s25 =	sadd.s32 $0x8, s25;
	v8 =	vtrunc.f32 v14;
	v7 =	vld [tilespmem:s26+$0xFFFFFFF0];
	v6 =	vadd.s32 v6, v5;
	v9 =	vadd.s32 $0x4800, v5  }
0x78: {  	p1 =	slt.u32 s25, $0x550;
	v8 =	vcvt.f32.s32 v8;
	v5 =	vadd.s32 $0xFFFFF280, v5;
	vm0 =	vgt.s32 v9, $0x557F  }
0x79: {  	v11 =	vmul.f32 $1.024000000e+03, v15;
	[tilespmem:v4+s2+$0x0] =	vst.idx.add.f32.msk $0xffff, v2;
	v2 =	vsel vm0, v5, v9  }
0x7a: {  	v9 =	vtrunc.f32 v10;
	v4 =	vadd.s32 v8, v2;
	v5 =	vadd.s32 $0x4800, v2;
	v8 =	vld [tilespmem:s26+$0x0]  }
0x7b: {  	v2 =	vadd.s32 $0xFFFFF280, v2;
	v9 =	vcvt.f32.s32 v9;
	vm0 =	vgt.s32 v5, $0x557F  }
0x7c: {  	v2 =	vsel vm0, v2, v5;
	v5 =	vmul.f32 $1.024000000e+03, v7;
	[tilespmem:v6+s2+$0x0] =	vst.idx.add.f32.msk $0xffff, v3  }
0x7d: {  	v10 =	vtrunc.f32 v11;
	v3 =	vadd.s32 v9, v2;
	v6 =	vadd.s32 $0x4800, v2;
	v9 =	vld [tilespmem:s26+$0x10]  }
0x7e: {  	v10 =	vcvt.f32.s32 v10;
	v2 =	vadd.s32 $0xFFFFF280, v2;
	vm0 =	vgt.s32 v6, $0x557F  }
0x7f: {  	[tilespmem:v4+s2+$0x0] =	vst.idx.add.f32.msk $0xffff, v12;
	v4 =	vsel vm0, v2, v6;
	v6 =	vmul.f32 $1.024000000e+03, v8  }
0x80: {  	v5 =	vtrunc.f32 v5;
	v12 =	vadd.s32 v10, v4;
	v10 =	vadd.s32 $0x4800, v4;
	v2 =	vld [tilespmem:s26+$0x20]  }
.Ltmp1:
0x81: {  	v5 =	vcvt.f32.s32 v5;
	v4 =	vadd.s32 $0xFFFFF280, v4;
	vm0 =	vgt.s32 v10, $0x557F;
	(pc) =	sbr.rel @p1 .LBB2_5-.Ltmp1, $4  }
0x82: {  	[tilespmem:v3+s2+$0x0] =	vst.idx.add.f32.msk $0xffff, v13;
	v4 =	vsel vm0, v4, v10;
	v10 =	vmul.f32 $1.024000000e+03, v9  }
0x83: {  	v6 =	vtrunc.f32 v6;
	v5 =	vadd.s32 v5, v4;
	v13 =	vadd.s32 $0x4800, v4;
	v3 =	vld [tilespmem:s26+$0x30]  }
0x84: {  	v11 =	vcvt.f32.s32 v6;
	v4 =	vadd.s32 $0xFFFFF280, v4;
	vm0 =	vgt.s32 v13, $0x557F  }
0x85: {  	s26 =	sadd.s32 $0x80, s26;
	[tilespmem:v12+s2+$0x0] =	vst.idx.add.f32.msk $0xffff, v15;
	v6 =	vsel vm0, v4, v13;
	v4 =	vmul.f32 $1.024000000e+03, v2  }
0x86: {  	v12 =	vadd.s32 $0x4800, v6  }
0x87: {  	v13 =	vadd.s32 $0xFFFFF280, v6;
	vm0 =	vgt.s32 v12, $0x557F  }
0x88: {  	v10 =	vtrunc.f32 v10;
	v12 =	vsel vm0, v13, v12  }
0x89: {  	v10 =	vcvt.f32.s32 v10;
	v4 =	vtrunc.f32 v4;
	v60 =	vadd.s32 $0x4800, v12  }
0x8a: {  	v61 =	vmul.f32 $1.024000000e+03, v3;
	v14 =	vadd.s32 $0xFFFFF280, v12;
	vm14 =	vgt.s32 v60, $0x557F  }
0x8b: {  	v59 =	vadd.s32 v11, v6;
	v4 =	vcvt.f32.s32 v4;
	v11 =	vsel vm14, v14, v60  }
0x8c: {  	v10 =	vadd.s32 v10, v12;
	v13 =	vtrunc.f32 v61;
	v62 =	vadd.s32 $0x4800, v11  }
0x8d: {  	v13 =	vcvt.f32.s32 v13;
	v14 =	vadd.s32 $0xFFFFF280, v11;
	vm15 =	vgt.s32 v62, $0x557F  }
0x8e: {  	v4 =	vadd.s32 v4, v11;
	v63 =	vsel vm15, v14, v62  }
0x8f: {  	v11 =	vadd.s32 v13, v63  }
.Ltmp2:
0x90: {  	[tilespmem:v5+s2+$0x0] =	vst.idx.add.f32.msk $0xffff, v7;
	(pc) =	sbr.rel @p0 .LBB2_7-.Ltmp2, $4  }
0x91: {  	[tilespmem:v59+s2+$0x0] =	vst.idx.add.f32.msk $0xffff, v8  }
0x92: {  	[tilespmem:v10+s2+$0x0] =	vst.idx.add.f32.msk $0xffff, v9  }
0x93: {  	[tilespmem:v4+s2+$0x0] =	vst.idx.add.f32.msk $0xffff, v2  }
0x94: {  	[tilespmem:v11+s2+$0x0] =	vst.idx.add.f32.msk $0xffff, v3  }
0x95: {  	s25 =	smul.u32 $0xAB00, s24  }
.Ltmp3:
0x96: {  	_ = 	snop;
	(pc) =	sbr.rel .LBB2_2-.Ltmp3, $4  }
0x97: {  	s25 =	sadd.s32 s25, s9  }
0x98: {  	s25 =	sshrl.u32 s25, $0x3  }
0x99: {  	s24 =	sadd.s32 $0x1, s24;
	s25 =	sadd.s32 s3, s25  }
0x9a: {  	[tilespmem:s17], [sflag:$0x2] =	stream.linear.gather [hbm4b:s25+s2], $0x5580, $0x38;
	[tilespmem:$0x17A00] =	vst v63  }
.LBB2_7:
0x9b: {  	s24 =	simm.s32 $0x0;
	p1 =	por $0x1, $0x1  }
.LBB2_8:
0x9c: {  	s24 =	sadd.s32 s10, s24  }
0x9d: {  	s24 =	sshrl.u32 s24, $0x3  }
0x9e: {  	s24 =	sadd.s32 s4, s24  }
0x9f: {  	[tilespmem:s20], [sflag:$0x3] =	stream.linear.gather [hbm4b:s24+s2], $0x2400, $0x38;
	[tilespmem:$0x17A00] =	vst v63  }
0xa0: {  	_ =	swait.ge [sflag:s14], $0x2400  }
0xa1: {  	[sflag:s14] =	ssyncset.done $0x0  }
0xa2: {  	s31 =	simm.s32 $0x15620;
	[sflag:s14] =	ssyncadd.s32 $0xFFFFDC00  }
0xa3: {  	v2 =	vld [tilespmem:s31+$0x10];
	_ =	sdelay $0x2  }
0xa4: {  	v4 =	vld [tilespmem:s31+$0xFFFFFFF0]  }
0xa5: {  	v7 =	vld [tilespmem:s31+$0x0]  }
0xa6: {  	v10 =	vld [tilespmem:s31+$0xFFFFFFE0];
	v3 =	vmul.f32 $5.000000000e-01, v2;
	_ =	sdelay $0x1  }
0xa7: {  	v3 =	vtrunc.f32 v3  }
0xa8: {  	v11 =	vcvt.f32.s32 v3  }
0xa9: {  	v5 =	vmul.f32 $5.000000000e-01, v7;
	v3 =	vmul.f32 $5.000000000e-01, v4  }
0xaa: {  	v6 =	vmul.f32 $5.000000000e-01, v10;
	v8 =	vcvt.s32.f32 v11  }
0xab: {  	v5 =	vtrunc.f32 v5;
	v3 =	vtrunc.f32 v3  }
0xac: {  	v6 =	vtrunc.f32 v6;
	v3 =	vcvt.f32.s32 v3;
	v8 =	vadd.f32 v8, v8  }
0xad: {  	v6 =	vcvt.f32.s32 v6;
	v9 =	vcvt.f32.s32 v5  }
0xae: {  	v23 =	vmul.u32 $0x480, v11;
	v12 =	vcvt.s32.f32 v3;
	v15 =	vsub.f32 v2, v8  }
0xaf: {  	v5 =	vmul.u32 $0x480, v3;
	v3 =	vcvt.s32.f32 v9;
	v2 =	vcvt.s32.f32 v6  }
0xb0: {  	v8 =	vmul.u32 $0x480, v6;
	v6 =	vmul.u32 $0x480, v9;
	v9 =	vsub.f32 $1.000000000e+00, v15  }
0xb1: {  	v12 =	vadd.f32 v12, v12;
	v2 =	vadd.f32 v2, v2;
	v14 =	vmul.f32 $1.024000000e+03, v15  }
0xb2: {  	v13 =	vadd.f32 v3, v3;
	v3 =	vadd.s32 $0x400, v8;
	v16 =	vmul.f32 $1.024000000e+03, v9  }
0xb3: {  	v12 =	vsub.f32 v4, v12;
	v17 =	vsub.f32 v10, v2;
	v2 =	vtrunc.f32 v14  }
0xb4: {  	v10 =	vsub.f32 v7, v13;
	v13 =	vcvt.f32.s32 v2;
	v14 =	vtrunc.f32 v16  }
0xb5: {  	v22 =	vsub.f32 $0.0e+00, v15;
	v4 =	vsub.f32 $1.000000000e+00, v12;
	v16 =	vcvt.f32.s32 v14  }
0xb6: {  	v18 =	vmul.f32 $1.024000000e+03, v12;
	v7 =	vsub.f32 $1.000000000e+00, v17;
	vm0 =	vlt.s32 v13, $0x3FF  }
0xb7: {  	v2 =	vsub.f32 $1.000000000e+00, v10;
	v13 =	vnsel vm0, $0x3FF, v13;
	vm15 =	vlt.s32 v16, $0x3FF  }
0xb8: {  	v19 =	vmul.f32 $1.024000000e+03, v4;
	v20 =	vnsel vm15, $0x3FF, v16;
	v16 =	vadd.s32 v23, v13  }
0xb9: {  	v21 =	vmul.f32 $1.024000000e+03, v17;
	v11 =	vmul.f32 $1.024000000e+03, v7;
	v13 =	vadd.s32 v23, v20  }
0xba: {  	v15 =	vadd.s32 $0x400, v23;
	v14 =	vmul.f32 $1.024000000e+03, v2;
	v19 =	vtrunc.f32 v19  }
0xbb: {  	p0 =	por p1, p1;
	s25 =	simm.s32 $0x15660;
	s24 =	simm.s32 $0x0;
	v20 =	vtrunc.f32 v11;
	v11 =	vsub.f32 $0.0e+00, v17;
	v17 =	vmul.f32 $1.024000000e+03, v10  }
.LBB2_9:
0xbc: {  	v23 =	vld [tilespmem:s25+$0x10];
	v21 =	vtrunc.f32 v21;
	v24 =	vsub.f32 $0.0e+00, v12;
	v12 =	vtrunc.f32 v14  }
0xbd: {  	v14 =	vtrunc.f32 v18;
	v17 =	vtrunc.f32 v17;
	v18 =	vsub.f32 $0.0e+00, v10;
	[tilespmem:v16+s2+$0x0] =	vst.idx.add.f32.msk $0xffff, v22  }
0xbe: {  	v10 =	vcvt.f32.s32 v20;
	v16 =	vcvt.f32.s32 v19;
	v19 =	vadd.s32 $0x400, v5;
	[tilespmem:v13+s2+$0x0] =	vst.idx.add.f32.msk $0xffff, v9  }
0xbf: {  	v20 =	vcvt.f32.s32 v21;
	v12 =	vcvt.f32.s32 v12;
	v22 =	vadd.s32 $0x400, v6;
	[tilespmem:v13+s15+$0x0] =	vst.idx.add.f32.msk $0xffff, v1  }
0xc0: {  	s24 =	sadd.s32 $0x4, s24;
	vm0 =	vlt.s32 v10, $0x3FF;
	v13 =	vcvt.f32.s32 v14;
	v14 =	vcvt.f32.s32 v17;
	[tilespmem:v15+s15+$0x0] =	vst.idx.add.f32.msk $0xffff, v9  }
0xc1: {  	p1 =	slt.u32 s24, $0x23C;
	vm1 =	vlt.s32 v20, $0x3FF;
	vm2 =	vlt.s32 v16, $0x3FF;
	vm3 =	vlt.s32 v12, $0x3FF;
	v15 =	vld [tilespmem:s25+$0xFFFFFFF0]  }
0xc2: {  	v9 =	vnsel vm0, $0x3FF, v10;
	vm0 =	vlt.s32 v13, $0x3FF;
	vm4 =	vlt.s32 v14, $0x3FF;
	v17 =	vld [tilespmem:s25+$0x0]  }
0xc3: {  	v16 =	vnsel vm2, $0x3FF, v16;
	v12 =	vnsel vm3, $0x3FF, v12;
	v21 =	vmul.f32 $5.000000000e-01, v23;
	v10 =	vld [tilespmem:s25+$0xFFFFFFE0]  }
0xc4: {  	v20 =	vnsel vm1, $0x3FF, v20;
	v13 =	vnsel vm0, $0x3FF, v13;
	v14 =	vnsel vm4, $0x3FF, v14  }
0xc5: {  	v25 =	vadd.s32 v8, v9;
	v16 =	vadd.s32 v5, v16;
	v21 =	vtrunc.f32 v21  }
0xc6: {  	v26 =	vadd.s32 v6, v12;
	v21 =	vcvt.f32.s32 v21;
	v9 =	vmul.f32 $5.000000000e-01, v15  }
0xc7: {  	v8 =	vadd.s32 v8, v20;
	v13 =	vadd.s32 v5, v13;
	v12 =	vmul.f32 $5.000000000e-01, v17  }
0xc8: {  	v14 =	vadd.s32 v6, v14;
	v20 =	vcvt.s32.f32 v21;
	v5 =	vmul.f32 $5.000000000e-01, v10  }
0xc9: {  	v6 =	vtrunc.f32 v9;
	v9 =	vtrunc.f32 v12  }
0xca: {  	v6 =	vcvt.f32.s32 v6;
	v12 =	vadd.f32 v20, v20;
	v5 =	vtrunc.f32 v5  }
0xcb: {  	v9 =	vcvt.f32.s32 v9;
	v20 =	vcvt.f32.s32 v5  }
0xcc: {  	v27 =	vcvt.s32.f32 v6;
	v5 =	vmul.u32 $0x480, v6;
	v23 =	vsub.f32 v23, v12;
	[tilespmem:v8+s2+$0x0] =	vst.idx.add.f32.msk $0xffff, v11  }
0xcd: {  	v12 =	vcvt.s32.f32 v9;
	v11 =	vcvt.s32.f32 v20;
	v8 =	vmul.u32 $0x480, v20;
	[tilespmem:v25+s2+$0x0] =	vst.idx.add.f32.msk $0xffff, v7  }
0xce: {  	v6 =	vmul.u32 $0x480, v9;
	v20 =	vadd.f32 v27, v27;
	v9 =	vsub.f32 $1.000000000e+00, v23;
	[tilespmem:v25+s15+$0x0] =	vst.idx.add.f32.msk $0xffff, v1  }
0xcf: {  	v27 =	vmul.f32 $1.024000000e+03, v23;
	v25 =	vadd.f32 v12, v12;
	v11 =	vadd.f32 v11, v11;
	[tilespmem:v3+s15+$0x0] =	vst.idx.add.f32.msk $0xffff, v7  }
0xd0: {  	v3 =	vadd.s32 $0x400, v8;
	v12 =	vsub.f32 v15, v20;
	v7 =	vmul.f32 $1.024000000e+03, v9;
	[tilespmem:v13+s2+$0x0] =	vst.idx.add.f32.msk $0xffff, v24  }
0xd1: {  	v13 =	vtrunc.f32 v27;
	v11 =	vsub.f32 v10, v11;
	v10 =	vsub.f32 v17, v25;
	[tilespmem:v16+s2+$0x0] =	vst.idx.add.f32.msk $0xffff, v4  }
0xd2: {  	v15 =	vsub.f32 $1.000000000e+00, v12;
	v13 =	vcvt.f32.s32 v13;
	v17 =	vtrunc.f32 v7;
	[tilespmem:v16+s15+$0x0] =	vst.idx.add.f32.msk $0xffff, v1  }
0xd3: {  	v16 =	vcvt.f32.s32 v17;
	v7 =	vsub.f32 $1.000000000e+00, v11;
	v20 =	vsub.f32 $1.000000000e+00, v10;
	[tilespmem:v19+s15+$0x0] =	vst.idx.add.f32.msk $0xffff, v4  }
0xd4: {  	v24 =	vmul.u32 $0x480, v21;
	v19 =	vmul.f32 $1.024000000e+03, v15;
	vm0 =	vlt.s32 v13, $0x3FF;
	v4 =	vmovc v15;
	[tilespmem:v14+s2+$0x0] =	vst.idx.add.f32.msk $0xffff, v18  }
.Ltmp4:
0xd5: {  	v13 =	vnsel vm0, $0x3FF, v13;
	vm0 =	vlt.s32 v16, $0x3FF;
	v15 =	vmul.f32 $1.024000000e+03, v7;
	[tilespmem:v26+s2+$0x0] =	vst.idx.add.f32.msk $0xffff, v2;
	(pc) =	sbr.rel @p1 .LBB2_9-.Ltmp4, $4  }
0xd6: {  	v14 =	vmul.f32 $1.024000000e+03, v20;
	v17 =	vnsel vm0, $0x3FF, v16;
	v16 =	vadd.s32 v24, v13;
	[tilespmem:v26+s15+$0x0] =	vst.idx.add.f32.msk $0xffff, v1  }
0xd7: {  	v21 =	vmul.f32 $1.024000000e+03, v11;
	v18 =	vmul.f32 $1.024000000e+03, v12;
	v13 =	vadd.s32 v24, v17;
	[tilespmem:v22+s15+$0x0] =	vst.idx.add.f32.msk $0xffff, v2;
	v2 =	vmovc v20  }
0xd8: {  	v11 =	vsub.f32 $0.0e+00, v11;
	v17 =	vmul.f32 $1.024000000e+03, v10;
	v20 =	vtrunc.f32 v15  }
0xd9: {  	s25 =	sadd.s32 $0x40, s25;
	v19 =	vtrunc.f32 v19;
	v22 =	vsub.f32 $0.0e+00, v23;
	v15 =	vadd.s32 $0x400, v24  }
0xda: {  	v21 =	vtrunc.f32 v21  }
0xdb: {  	v18 =	vtrunc.f32 v18;
	v21 =	vcvt.f32.s32 v21  }
0xdc: {  	v18 =	vcvt.f32.s32 v18  }
0xdd: {  	v20 =	vcvt.f32.s32 v20;
	vm0 =	vlt.s32 v21, $0x3FF  }
0xde: {  	v17 =	vtrunc.f32 v17;
	[tilespmem:v16+s2+$0x0] =	vst.idx.add.f32.msk $0xffff, v22;
	vm12 =	vlt.s32 v18, $0x3FF;
	v21 =	vnsel vm0, $0x3FF, v21  }
0xdf: {  	vm1 =	vlt.s32 v20, $0x3FF;
	[tilespmem:v13+s2+$0x0] =	vst.idx.add.f32.msk $0xffff, v9;
	v56 =	vnsel vm12, $0x3FF, v18;
	v21 =	vadd.s32 v8, v21  }
0xe0: {  	v17 =	vcvt.f32.s32 v17;
	v20 =	vnsel vm1, $0x3FF, v20;
	[tilespmem:v13+s15+$0x0] =	vst.idx.add.f32.msk $0xffff, v1;
	v13 =	vadd.s32 v5, v56  }
0xe1: {  	v54 =	vcvt.f32.s32 v19;
	v55 =	vadd.s32 v8, v20  }
0xe2: {  	v14 =	vtrunc.f32 v14;
	vm14 =	vlt.s32 v17, $0x3FF  }
0xe3: {  	v58 =	vsub.f32 $0.0e+00, v12;
	vm13 =	vlt.s32 v54, $0x3FF;
	[tilespmem:v15+s15+$0x0] =	vst.idx.add.f32.msk $0xffff, v9;
	v60 =	vnsel vm14, $0x3FF, v17  }
0xe4: {  	v14 =	vcvt.f32.s32 v14;
	v57 =	vnsel vm13, $0x3FF, v54;
	v12 =	vadd.s32 v6, v60;
	[tilespmem:v21+s2+$0x0] =	vst.idx.add.f32.msk $0xffff, v11  }
0xe5: {  	v9 =	vadd.s32 v5, v57;
	[tilespmem:v13+s2+$0x0] =	vst.idx.add.f32.msk $0xffff, v58  }
0xe6: {  	vm15 =	vlt.s32 v14, $0x3FF;
	[tilespmem:v55+s2+$0x0] =	vst.idx.add.f32.msk $0xffff, v7  }
0xe7: {  	v59 =	vadd.s32 $0x400, v5;
	v62 =	vsub.f32 $0.0e+00, v10;
	v61 =	vnsel vm15, $0x3FF, v14;
	[tilespmem:v55+s15+$0x0] =	vst.idx.add.f32.msk $0xffff, v1  }
0xe8: {  	[tilespmem:v3+s15+$0x0] =	vst.idx.add.f32.msk $0xffff, v7;
	v3 =	vadd.s32 v6, v61  }
0xe9: {  	[tilespmem:v12+s2+$0x0] =	vst.idx.add.f32.msk $0xffff, v62  }
0xea: {  	v63 =	vadd.s32 $0x400, v6;
	[tilespmem:v9+s2+$0x0] =	vst.idx.add.f32.msk $0xffff, v4  }
.Ltmp5:
0xeb: {  	[tilespmem:v9+s15+$0x0] =	vst.idx.add.f32.msk $0xffff, v1;
	(pc) =	sbr.rel @p0 .LBB2_8-.Ltmp5, $4  }
0xec: {  	[tilespmem:v59+s15+$0x0] =	vst.idx.add.f32.msk $0xffff, v4  }
0xed: {  	[tilespmem:v3+s2+$0x0] =	vst.idx.add.f32.msk $0xffff, v2  }
0xee: {  	[tilespmem:v3+s15+$0x0] =	vst.idx.add.f32.msk $0xffff, v1  }
0xef: {  	s24 =	simm.s32 $0x2400;
	p1 =	por $0x0, $0x0;
	[tilespmem:v63+s15+$0x0] =	vst.idx.add.f32.msk $0xffff, v2  }
0xf0: {  	[hbm4b:s11+s21] =	stream.strided.scatter [tilespmem:s2], [sflag:$0x3], $0x5580, s22, s21, $0x38;
	[tilespmem:$0x17A00] =	vst v63  }
0xf1: {  	s23 =	sadd.s32 $0x1, s23;
	_ =	swait.ge [sflag:s14], $0x5580  }
0xf2: {  	p0 =	sne.s32 s23, s13;
	[sflag:s14] =	ssyncset.done $0x0  }
.Ltmp6:
0xf3: {  	[sflag:s14] =	ssyncadd.s32 $0xFFFFAA80;
	(pc) =	sbr.rel @p0 .LBB2_1-.Ltmp6, $4  }
0xf4: {  	[hbm4b:s12+s21] =	stream.strided.scatter [tilespmem:s15], [sflag:$0x3], $0x5580, s22, s21, $0x38;
	[tilespmem:$0x17A00] =	vst v63  }
0xf5: {  	_ =	swait.ge [sflag:s14], $0x5580  }
0xf6: {  	[sflag:s14] =	ssyncset.done $0x0  }
0xf7: {  	[sflag:s14] =	ssyncadd.s32 $0xFFFFAA80  }
0xf8: {  	_ =	sfence.sel $0x180000  }
0xf9: {  	[bflag:$0x0] =	sbarrier.arrive $0xFFFF  }
0xfa: {  	p0 =	sne.s32 s1, $0x0;
	_ =	strace $0x90000047  }
0xfb: {  	s0 =	sadd.s32 @!p0 $0x100000, s0;
	[bflag:$0x2] =	sbarrier.arrive $0xFFFF  }
0xfc: {  	[sflag:s0] =	ssyncadd.tile.s32 @!p0 $0x1;
	_ =	shalt  }
.Lfunc_end2:
_tile_overlayer_lowered:
.L_overlay_start_2:
0xfd: {  	(tag) =	ssettag $0x2  }
0xfe: {  	s0 =	rddreg [dreg:$0x0];
	s2 =	stileid.u32  }
0xff: {  	s1 =	rddreg [dreg:$0x1];
	p0 =	sne.s32 s2, $0x0  }
0x100: {  	s3 =	rddreg [dreg:$0x2];
	[bflag:$0x3] =	sbarrier.arrive $0xFFFF;
	s2 =	simm.s32 @!p0 $0x1C03  }
0x101: {  	[timem:s3], [sflag:s2] =	dma.local @!p0 [hbm:s0], s1  }
0x102: {  	s0 =	simm.s32 @!p0 $0x3  }
0x103: {  	_ =	swait.ge @!p0 [sflag:s0], s1  }
0x104: {  	s1 =	ssub.s32 @!p0 $0x0, s1;
	[sflag:s0] =	ssyncset.done @!p0 $0x0  }
0x105: {  	[sflag:s0] =	ssyncadd.s32 @!p0 s1  }
0x106: {  	[bflag:$0x3] =	sbarrier.arrive $0xFFFF  }
0x107: {  	_ =	shalt  }

</sc_bundles>
